<compile_context>
chip_gen: v7x
topology: tpu7x:2x2x1
jax: 0.10.2.dev20260603
libtpu: 0.0.44.dev20260713+nightly
codegen_flags: <defaults>
</compile_context>

<pallas_src>
import functools

import jax
import jax.numpy as jnp
from jax import lax
from jax.experimental import pallas as pl
from jax.experimental.pallas import tpu as pltpu
from jax.experimental.pallas import tpu_sc as plsc

_N = 10000
_E = 320000
_DIN = 128
_DE = 16
_DOUT = 128
_DTD = 24

_NC = 2
_NS = 16
_NW = _NC * _NS
_EPW = _E // _NW
_K = 80
_C = _EPW // _K
_NP = 10240
_RPT = _NP // _NS
_G = 25
_NG = _C // _G


def _sc_segment_sums(nf, ef, src3, dst3):
    mesh = plsc.VectorSubcoreMesh(core_axis_name="c", subcore_axis_name="s")

    @functools.partial(
        pl.kernel,
        mesh=mesh,
        out_type=[
            jax.ShapeDtypeStruct((_NC, _NP, _DIN), jnp.float32),
            jax.ShapeDtypeStruct((_NC, _NP, _DTD), jnp.float32),
        ],
        scratch_types=[
            pltpu.VMEM_SHARED((_NP, _DIN), jnp.float32),
            pltpu.VMEM_SHARED((_NP, _DTD), jnp.float32),
            pltpu.VMEM((_G, _K), jnp.int32),
            pltpu.VMEM((_G, _K), jnp.int32),
            pltpu.VMEM((2, _K, _DIN), jnp.float32),
            pltpu.VMEM((2, _K, _DTD), jnp.float32),
            pltpu.SemaphoreType.DMA,
            pltpu.SemaphoreType.DMA,
            pltpu.SemaphoreType.DMA,
            pltpu.SemaphoreType.DMA,
        ],
        compiler_params=pltpu.CompilerParams(use_tc_tiling_on_sc=False),
    )
    def k(nf_hbm, ef_hbm, src_hbm, dst_hbm, s_out, td_out,
          s_sp, td_sp, isrc, idst, rows, tdv, sem_g, sem_e, sem_s, sem_td):
        c = lax.axis_index("c")
        s = lax.axis_index("s")
        w = c * _NS + s
        base = s * _RPT
        ebase = w * _EPW

        def zrow(i, carry):
            for h in range(_DIN // 16):
                rows[0, i, pl.ds(h * 16, 16)] = jnp.zeros((16,), jnp.float32)
            tdv[0, i, pl.ds(0, 16)] = jnp.zeros((16,), jnp.float32)
            tdv[0, i, pl.ds(8, 16)] = jnp.zeros((16,), jnp.float32)
            return carry
        lax.fori_loop(0, _K, zrow, 0)

        for z in range(_RPT // _K):
            r0 = base + z * _K
            pltpu.sync_copy(rows.at[0], s_sp.at[pl.ds(r0, _K)])
            pltpu.sync_copy(tdv.at[0], td_sp.at[pl.ds(r0, _K)])

        def orow(i, carry):
            tdv[0, i, pl.ds(8, 16)] = jnp.ones((16,), jnp.float32)
            tdv[1, i, pl.ds(8, 16)] = jnp.ones((16,), jnp.float32)
            return carry
        lax.fori_loop(0, _K, orow, 0)
        plsc.subcore_barrier()

        def stage(g, carry):
            pltpu.sync_copy(src_hbm.at[w, pl.ds(g * _G, _G)], isrc)
            pltpu.sync_copy(dst_hbm.at[w, pl.ds(g * _G, _G)], idst)
            pltpu.async_copy(nf_hbm.at[isrc.at[0]], rows.at[0], sem_g)
            pltpu.async_copy(ef_hbm.at[pl.ds(ebase + g * _G * _K, _K)],
                             tdv.at[0, :, pl.ds(0, _DE)], sem_e)

            def step(j, carry2):
                p = lax.rem(j, 2)
                pltpu.make_async_copy(
                    nf_hbm.at[pl.ds(0, _K)], rows.at[p], sem_g).wait()
                pltpu.make_async_copy(
                    ef_hbm.at[pl.ds(0, _K)],
                    tdv.at[p, :, pl.ds(0, _DE)], sem_e).wait()

                @pl.when(j >= 1)
                def _drain_prev():
                    pltpu.make_async_copy(
                        nf_hbm.at[pl.ds(0, _K)], rows.at[1 - p], sem_s).wait()
                    pltpu.make_async_copy(
                        td_out.at[0, pl.ds(0, _K)], tdv.at[1 - p],
                        sem_td).wait()

                @pl.when(j + 1 < _G)
                def _prefetch():
                    pltpu.async_copy(
                        nf_hbm.at[isrc.at[j + 1]], rows.at[1 - p], sem_g)
                    pltpu.async_copy(
                        ef_hbm.at[pl.ds(ebase + (g * _G + j + 1) * _K, _K)],
                        tdv.at[1 - p, :, pl.ds(0, _DE)], sem_e)

                pltpu.async_copy(rows.at[p], s_sp.at[idst.at[j]], sem_s,
                                 add=True)
                pltpu.async_copy(tdv.at[p], td_sp.at[idst.at[j]], sem_td,
                                 add=True)
                return carry2
            lax.fori_loop(0, _G, step, 0)

            pltpu.make_async_copy(
                nf_hbm.at[pl.ds(0, _K)], rows.at[0], sem_s).wait()
            pltpu.make_async_copy(
                td_out.at[0, pl.ds(0, _K)], tdv.at[0], sem_td).wait()
            return carry
        lax.fori_loop(0, _NG, stage, 0)

        plsc.subcore_barrier()

        pltpu.sync_copy(s_sp.at[pl.ds(base, _RPT)],
                        s_out.at[c, pl.ds(base, _RPT)])
        pltpu.sync_copy(td_sp.at[pl.ds(base, _RPT)],
                        td_out.at[c, pl.ds(base, _RPT)])

    return k(nf, ef, src3, dst3)


def _tc_apply(s2, td2, nf, wma, wmb, bm, wa1, wa2, ba):
    bn = 2000
    grid = (_N // bn,)

    def body(s2r, td2r, nfr, wmar, wmbr, bmr, wa1r, wa2r, bar, outr):
        sv = s2r[0] + s2r[1]
        tv = td2r[0, :, 0:_DE] + td2r[1, :, 0:_DE]
        dv = td2r[0, :, _DE:_DE + 1] + td2r[1, :, _DE:_DE + 1]
        sums = (jnp.dot(sv, wmar[...], preferred_element_type=jnp.float32)
                + jnp.dot(tv, wmbr[...], preferred_element_type=jnp.float32)
                + dv * bmr[...])
        hn = sums / jnp.maximum(dv, 1.0)
        out = (jnp.dot(nfr[...], wa1r[...], preferred_element_type=jnp.float32)
               + jnp.dot(hn, wa2r[...], preferred_element_type=jnp.float32)
               + bar[...])
        outr[...] = jnp.maximum(out, 0.0)

    return pl.pallas_call(
        body,
        grid=grid,
        in_specs=[
            pl.BlockSpec((_NC, bn, _DIN), lambda i: (0, i, 0)),
            pl.BlockSpec((_NC, bn, _DTD), lambda i: (0, i, 0)),
            pl.BlockSpec((bn, _DIN), lambda i: (i, 0)),
            pl.BlockSpec((_DIN, _DOUT), lambda i: (0, 0)),
            pl.BlockSpec((_DE, _DOUT), lambda i: (0, 0)),
            pl.BlockSpec((1, _DOUT), lambda i: (0, 0)),
            pl.BlockSpec((_DIN, _DOUT), lambda i: (0, 0)),
            pl.BlockSpec((_DOUT, _DOUT), lambda i: (0, 0)),
            pl.BlockSpec((1, _DOUT), lambda i: (0, 0)),
        ],
        out_specs=pl.BlockSpec((bn, _DOUT), lambda i: (i, 0)),
        out_shape=jax.ShapeDtypeStruct((_N, _DOUT), jnp.float32),
    )(s2, td2, nf, wma, wmb, bm, wa1, wa2, ba)


def kernel(nfeats, efeats, edge_index, W_msg, b_msg, W_apply, b_apply):
    nf = nfeats.reshape(_N, _DIN)
    ef = efeats.reshape(_E, _DE)
    src3 = edge_index[0].reshape(_NW, _C, _K)
    dst3 = edge_index[1].reshape(_NW, _C, _K)
    s2, td2 = _sc_segment_sums(nf, ef, src3, dst3)
    wma = W_msg[:, :_DIN].T
    wmb = W_msg[:, _DIN:].T
    wa1 = W_apply[:, :_DIN].T
    wa2 = W_apply[:, _DIN:].T
    out = _tc_apply(s2, td2, nf, wma, wmb,
                    b_msg.reshape(1, _DOUT), wa1, wa2,
                    b_apply.reshape(1, _DOUT))
    return out.reshape(_N, 1, _DOUT)

# --- scband reference (transcript-rebuilt; emitter-appended) ---
"""Pipeline reference for scband-gcnlayer-5403068859071 (READ-ONLY COPY).

The authoritative reference and input builder live on the scoring server;
editing this copy changes nothing except your own understanding.
"""

import jax, jax.numpy as jnp
import numpy as np

N = 10000
E = 320000
DIN = 128
DE = 16
DOUT = 128


def setup_inputs(seed: int = 0) -> dict:
    key = jax.random.key(seed)
    k1, k2, k3, k4, k5, k6, k7 = jax.random.split(key, 7)
    nfeats = jax.random.normal(k1, (N, 1, DIN), dtype=jnp.float32)
    efeats = jax.random.normal(k2, (E, 1, DE), dtype=jnp.float32)
    edge_index = jax.random.randint(k3, (2, E), 0, N, dtype=jnp.int32)
    W_msg = jax.random.normal(k4, (DOUT, DIN + DE), dtype=jnp.float32) * 0.05
    b_msg = jax.random.normal(k5, (DOUT,), dtype=jnp.float32) * 0.05
    W_apply = jax.random.normal(k6, (DOUT, DIN + DOUT), dtype=jnp.float32) * 0.05
    b_apply = jax.random.normal(k7, (DOUT,), dtype=jnp.float32) * 0.05
    return {"nfeats": nfeats, "efeats": efeats, "edge_index": edge_index,
            "W_msg": W_msg, "b_msg": b_msg, "W_apply": W_apply, "b_apply": b_apply}


def reference(nfeats, efeats, edge_index, W_msg, b_msg, W_apply, b_apply):
    src = edge_index[0]
    dst = edge_index[1]
    # message: W_msg(cat([h_src, e_h], dim=2)) per edge
    h_src = jnp.take(nfeats, src, axis=0)            # [E, 1, DIN]
    m_in = jnp.concatenate([h_src, efeats], axis=2)  # [E, 1, DIN+DE]
    m = jnp.einsum('eij,oj->eio', m_in, W_msg) + b_msg  # [E, 1, DOUT]
    # mean aggregation by destination node (zero-degree nodes -> 0, like DGL)
    sums = jax.ops.segment_sum(m, dst, num_segments=N)  # [N, 1, DOUT]
    deg = jax.ops.segment_sum(jnp.ones((E,), jnp.float32), dst, num_segments=N)
    h_neigh = sums / jnp.maximum(deg, 1.0)[:, None, None]
    # apply: relu(W_apply(cat([h, h_neigh], dim=2)))
    a_in = jnp.concatenate([nfeats, h_neigh], axis=2)  # [N, 1, DIN+DOUT]
    out = jax.nn.relu(jnp.einsum('nij,oj->nio', a_in, W_apply) + b_apply)
    return out

if __name__ == "__main__":
    import jax
    _d = setup_inputs()
    print(jax.jit(kernel)(*tuple(_d.values())))

</pallas_src>

<mosaic_0001>
#map = affine_map<(d0, d1) -> (0, 0)>
#map1 = affine_map<(d0, d1) -> (0, 0, 0)>
module attributes {stable_mosaic.version = 14 : i64} {
  func.func @k(%arg0: i32, %arg1: i32, %arg2: memref<10000x128xf32, #tpu.memory_space<hbm>>, %arg3: memref<320000x16xf32, #tpu.memory_space<hbm>>, %arg4: memref<32x125x80xi32, #tpu.memory_space<hbm>>, %arg5: memref<32x125x80xi32, #tpu.memory_space<hbm>>, %arg6: memref<2x10240x128xf32, #tpu.memory_space<hbm>>, %arg7: memref<2x10240x24xf32, #tpu.memory_space<hbm>>, %arg8: memref<10240x128xf32, #tpu.memory_space<vmem_shared>>, %arg9: memref<10240x24xf32, #tpu.memory_space<vmem_shared>>, %arg10: memref<25x80xi32, #tpu.memory_space<vmem>>, %arg11: memref<25x80xi32, #tpu.memory_space<vmem>>, %arg12: memref<2x80x128xf32, #tpu.memory_space<vmem>>, %arg13: memref<2x80x24xf32, #tpu.memory_space<vmem>>, %arg14: memref<!tpu.dma_semaphore, #tpu.memory_space<semaphore_mem>>, %arg15: memref<!tpu.dma_semaphore, #tpu.memory_space<semaphore_mem>>, %arg16: memref<!tpu.dma_semaphore, #tpu.memory_space<semaphore_mem>>, %arg17: memref<!tpu.dma_semaphore, #tpu.memory_space<semaphore_mem>>) attributes {dimension_semantics = [#tpu.dimension_semantics<core_parallel>, #tpu.dimension_semantics<subcore_parallel>], iteration_bounds = array<i64: 2, 16>, scalar_prefetch = 0 : i64, scratch_operands = 10 : i64, tpu.core_type = #tpu.core_type<sc_vector_subcore>, window_params = [{transform_indices = #map}, {transform_indices = #map}, {transform_indices = #map1}, {transform_indices = #map1}, {transform_indices = #map1}, {transform_indices = #map1}]} {
    %mul3A = arith.constant 16 : i32
    %mul3A_0 = arith.muli %arg0, %mul3A : i32
    %add3A = arith.addi %mul3A_0, %arg1 : i32
    %mul3A_1 = arith.constant 640 : i32
    %mul3A_2 = arith.muli %arg1, %mul3A_1 : i32
    %mul3A_3 = arith.constant 10000 : i32
    %mul3A_4 = arith.muli %add3A, %mul3A_3 : i32
    %scan3A = arith.constant 0 : i32
    %scan3A_5 = arith.constant 0 : i32
    %scan3A_6 = arith.constant 80 : i32
    %scan3A_7 = arith.addi %scan3A_5, %scan3A_6 : i32
    %scan3A_8 = arith.constant 1 : i32
    scf.for %scan3A_54 = %scan3A_5 to %scan3A_7 step %scan3A_8  : i32 {
      %broadcast_in_dim3A = arith.constant 0.000000e+00 : f32
      %broadcast_in_dim3A_55 = vector.broadcast %broadcast_in_dim3A : f32 to vector<16xf32>
      %swap3A = arith.constant 0 : i32
      %swap3A_56 = arith.index_cast %swap3A : i32 to index
      %swap3A_57 = arith.index_cast %scan3A_54 : i32 to index
      %swap3A_58 = arith.constant 0 : index
      %swap3A_59 = tpu.vector_load %arg12[%swap3A_56, %swap3A_57, %swap3A_58] {strides = array<i32>} : memref<2x80x128xf32, #tpu.memory_space<vmem>>, vector<1x1x16xf32>,
      %swap3A_60 = vector.shape_cast %swap3A_59 : vector<1x1x16xf32> to vector<16xf32>
      %swap3A_61 = vector.shape_cast %broadcast_in_dim3A_55 : vector<16xf32> to vector<1x1x16xf32>
      tpu.vector_store %arg12[%swap3A_56, %swap3A_57, %swap3A_58], %swap3A_61 {strides = array<i32>} : memref<2x80x128xf32, #tpu.memory_space<vmem>>, vector<1x1x16xf32>,
      %broadcast_in_dim3A_62 = arith.constant 0.000000e+00 : f32
      %broadcast_in_dim3A_63 = vector.broadcast %broadcast_in_dim3A_62 : f32 to vector<16xf32>
      %swap3A_64 = arith.constant 0 : i32
      %swap3A_65 = arith.index_cast %swap3A_64 : i32 to index
      %swap3A_66 = arith.index_cast %scan3A_54 : i32 to index
      %swap3A_67 = arith.constant 16 : index
      %swap3A_68 = tpu.vector_load %arg12[%swap3A_65, %swap3A_66, %swap3A_67] {strides = array<i32>} : memref<2x80x128xf32, #tpu.memory_space<vmem>>, vector<1x1x16xf32>,
      %swap3A_69 = vector.shape_cast %swap3A_68 : vector<1x1x16xf32> to vector<16xf32>
      %swap3A_70 = vector.shape_cast %broadcast_in_dim3A_63 : vector<16xf32> to vector<1x1x16xf32>
      tpu.vector_store %arg12[%swap3A_65, %swap3A_66, %swap3A_67], %swap3A_70 {strides = array<i32>} : memref<2x80x128xf32, #tpu.memory_space<vmem>>, vector<1x1x16xf32>,
      %broadcast_in_dim3A_71 = arith.constant 0.000000e+00 : f32
      %broadcast_in_dim3A_72 = vector.broadcast %broadcast_in_dim3A_71 : f32 to vector<16xf32>
      %swap3A_73 = arith.constant 0 : i32
      %swap3A_74 = arith.index_cast %swap3A_73 : i32 to index
      %swap3A_75 = arith.index_cast %scan3A_54 : i32 to index
      %swap3A_76 = arith.constant 32 : index
      %swap3A_77 = tpu.vector_load %arg12[%swap3A_74, %swap3A_75, %swap3A_76] {strides = array<i32>} : memref<2x80x128xf32, #tpu.memory_space<vmem>>, vector<1x1x16xf32>,
      %swap3A_78 = vector.shape_cast %swap3A_77 : vector<1x1x16xf32> to vector<16xf32>
      %swap3A_79 = vector.shape_cast %broadcast_in_dim3A_72 : vector<16xf32> to vector<1x1x16xf32>
      tpu.vector_store %arg12[%swap3A_74, %swap3A_75, %swap3A_76], %swap3A_79 {strides = array<i32>} : memref<2x80x128xf32, #tpu.memory_space<vmem>>, vector<1x1x16xf32>,
      %broadcast_in_dim3A_80 = arith.constant 0.000000e+00 : f32
      %broadcast_in_dim3A_81 = vector.broadcast %broadcast_in_dim3A_80 : f32 to vector<16xf32>
      %swap3A_82 = arith.constant 0 : i32
      %swap3A_83 = arith.index_cast %swap3A_82 : i32 to index
      %swap3A_84 = arith.index_cast %scan3A_54 : i32 to index
      %swap3A_85 = arith.constant 48 : index
      %swap3A_86 = tpu.vector_load %arg12[%swap3A_83, %swap3A_84, %swap3A_85] {strides = array<i32>} : memref<2x80x128xf32, #tpu.memory_space<vmem>>, vector<1x1x16xf32>,
      %swap3A_87 = vector.shape_cast %swap3A_86 : vector<1x1x16xf32> to vector<16xf32>
      %swap3A_88 = vector.shape_cast %broadcast_in_dim3A_81 : vector<16xf32> to vector<1x1x16xf32>
      tpu.vector_store %arg12[%swap3A_83, %swap3A_84, %swap3A_85], %swap3A_88 {strides = array<i32>} : memref<2x80x128xf32, #tpu.memory_space<vmem>>, vector<1x1x16xf32>,
      %broadcast_in_dim3A_89 = arith.constant 0.000000e+00 : f32
      %broadcast_in_dim3A_90 = vector.broadcast %broadcast_in_dim3A_89 : f32 to vector<16xf32>
      %swap3A_91 = arith.constant 0 : i32
      %swap3A_92 = arith.index_cast %swap3A_91 : i32 to index
      %swap3A_93 = arith.index_cast %scan3A_54 : i32 to index
      %swap3A_94 = arith.constant 64 : index
      %swap3A_95 = tpu.vector_load %arg12[%swap3A_92, %swap3A_93, %swap3A_94] {strides = array<i32>} : memref<2x80x128xf32, #tpu.memory_space<vmem>>, vector<1x1x16xf32>,
      %swap3A_96 = vector.shape_cast %swap3A_95 : vector<1x1x16xf32> to vector<16xf32>
      %swap3A_97 = vector.shape_cast %broadcast_in_dim3A_90 : vector<16xf32> to vector<1x1x16xf32>
      tpu.vector_store %arg12[%swap3A_92, %swap3A_93, %swap3A_94], %swap3A_97 {strides = array<i32>} : memref<2x80x128xf32, #tpu.memory_space<vmem>>, vector<1x1x16xf32>,
      %broadcast_in_dim3A_98 = arith.constant 0.000000e+00 : f32
      %broadcast_in_dim3A_99 = vector.broadcast %broadcast_in_dim3A_98 : f32 to vector<16xf32>
      %swap3A_100 = arith.constant 0 : i32
      %swap3A_101 = arith.index_cast %swap3A_100 : i32 to index
      %swap3A_102 = arith.index_cast %scan3A_54 : i32 to index
      %swap3A_103 = arith.constant 80 : index
      %swap3A_104 = tpu.vector_load %arg12[%swap3A_101, %swap3A_102, %swap3A_103] {strides = array<i32>} : memref<2x80x128xf32, #tpu.memory_space<vmem>>, vector<1x1x16xf32>,
      %swap3A_105 = vector.shape_cast %swap3A_104 : vector<1x1x16xf32> to vector<16xf32>
      %swap3A_106 = vector.shape_cast %broadcast_in_dim3A_99 : vector<16xf32> to vector<1x1x16xf32>
      tpu.vector_store %arg12[%swap3A_101, %swap3A_102, %swap3A_103], %swap3A_106 {strides = array<i32>} : memref<2x80x128xf32, #tpu.memory_space<vmem>>, vector<1x1x16xf32>,
      %broadcast_in_dim3A_107 = arith.constant 0.000000e+00 : f32
      %broadcast_in_dim3A_108 = vector.broadcast %broadcast_in_dim3A_107 : f32 to vector<16xf32>
      %swap3A_109 = arith.constant 0 : i32
      %swap3A_110 = arith.index_cast %swap3A_109 : i32 to index
      %swap3A_111 = arith.index_cast %scan3A_54 : i32 to index
      %swap3A_112 = arith.constant 96 : index
      %swap3A_113 = tpu.vector_load %arg12[%swap3A_110, %swap3A_111, %swap3A_112] {strides = array<i32>} : memref<2x80x128xf32, #tpu.memory_space<vmem>>, vector<1x1x16xf32>,
      %swap3A_114 = vector.shape_cast %swap3A_113 : vector<1x1x16xf32> to vector<16xf32>
      %swap3A_115 = vector.shape_cast %broadcast_in_dim3A_108 : vector<16xf32> to vector<1x1x16xf32>
      tpu.vector_store %arg12[%swap3A_110, %swap3A_111, %swap3A_112], %swap3A_115 {strides = array<i32>} : memref<2x80x128xf32, #tpu.memory_space<vmem>>, vector<1x1x16xf32>,
      %broadcast_in_dim3A_116 = arith.constant 0.000000e+00 : f32
      %broadcast_in_dim3A_117 = vector.broadcast %broadcast_in_dim3A_116 : f32 to vector<16xf32>
      %swap3A_118 = arith.constant 0 : i32
      %swap3A_119 = arith.index_cast %swap3A_118 : i32 to index
      %swap3A_120 = arith.index_cast %scan3A_54 : i32 to index
      %swap3A_121 = arith.constant 112 : index
      %swap3A_122 = tpu.vector_load %arg12[%swap3A_119, %swap3A_120, %swap3A_121] {strides = array<i32>} : memref<2x80x128xf32, #tpu.memory_space<vmem>>, vector<1x1x16xf32>,
      %swap3A_123 = vector.shape_cast %swap3A_122 : vector<1x1x16xf32> to vector<16xf32>
      %swap3A_124 = vector.shape_cast %broadcast_in_dim3A_117 : vector<16xf32> to vector<1x1x16xf32>
      tpu.vector_store %arg12[%swap3A_119, %swap3A_120, %swap3A_121], %swap3A_124 {strides = array<i32>} : memref<2x80x128xf32, #tpu.memory_space<vmem>>, vector<1x1x16xf32>,
      %broadcast_in_dim3A_125 = arith.constant 0.000000e+00 : f32
      %broadcast_in_dim3A_126 = vector.broadcast %broadcast_in_dim3A_125 : f32 to vector<16xf32>
      %swap3A_127 = arith.constant 0 : i32
      %swap3A_128 = arith.index_cast %swap3A_127 : i32 to index
      %swap3A_129 = arith.index_cast %scan3A_54 : i32 to index
      %swap3A_130 = arith.constant 0 : index
      %swap3A_131 = tpu.vector_load %arg13[%swap3A_128, %swap3A_129, %swap3A_130] {strides = array<i32>} : memref<2x80x24xf32, #tpu.memory_space<vmem>>, vector<1x1x16xf32>,
      %swap3A_132 = vector.shape_cast %swap3A_131 : vector<1x1x16xf32> to vector<16xf32>
      %swap3A_133 = vector.shape_cast %broadcast_in_dim3A_126 : vector<16xf32> to vector<1x1x16xf32>
      tpu.vector_store %arg13[%swap3A_128, %swap3A_129, %swap3A_130], %swap3A_133 {strides = array<i32>} : memref<2x80x24xf32, #tpu.memory_space<vmem>>, vector<1x1x16xf32>,
      %broadcast_in_dim3A_134 = arith.constant 0.000000e+00 : f32
      %broadcast_in_dim3A_135 = vector.broadcast %broadcast_in_dim3A_134 : f32 to vector<16xf32>
      %swap3A_136 = arith.constant 0 : i32
      %swap3A_137 = arith.index_cast %swap3A_136 : i32 to index
      %swap3A_138 = arith.index_cast %scan3A_54 : i32 to index
      %swap3A_139 = arith.constant 8 : index
      %swap3A_140 = tpu.vector_load %arg13[%swap3A_137, %swap3A_138, %swap3A_139] {strides = array<i32>} : memref<2x80x24xf32, #tpu.memory_space<vmem>>, vector<1x1x16xf32>,
      %swap3A_141 = vector.shape_cast %swap3A_140 : vector<1x1x16xf32> to vector<16xf32>
      %swap3A_142 = vector.shape_cast %broadcast_in_dim3A_135 : vector<16xf32> to vector<1x1x16xf32>
      tpu.vector_store %arg13[%swap3A_137, %swap3A_138, %swap3A_139], %swap3A_142 {strides = array<i32>} : memref<2x80x24xf32, #tpu.memory_space<vmem>>, vector<1x1x16xf32>,
    }
    %scan3A_9 = arith.constant 80 : i32
    %add3A_10 = arith.constant 0 : i32
    %add3A_11 = arith.addi %mul3A_2, %add3A_10 : i32
    %run_scoped3A = arith.constant 0 : i32
    "tpu.region"() ({
      %run_scoped3A_54 = tpu.sem_alloc : memref<!tpu.dma_semaphore, #tpu.memory_space<semaphore_mem>>
      %dma_start3A = arith.constant 0 : i32
      %dma_start3A_55 = arith.constant 0 : i32
      %dma_start3A_56 = tpu.memref_slice %arg12[%run_scoped3A, %dma_start3A, %dma_start3A_55] : memref<2x80x128xf32, #tpu.memory_space<vmem>> -> memref<1x80x128xf32, #tpu.memory_space<vmem>>
      %dma_start3A_57 = tpu.memref_squeeze %dma_start3A_56 : memref<1x80x128xf32, #tpu.memory_space<vmem>> -> memref<80x128xf32, #tpu.memory_space<vmem>>
      %dma_start3A_58 = arith.constant 0 : i32
      %dma_start3A_59 = tpu.memref_slice %arg8[%add3A_11, %dma_start3A_58] : memref<10240x128xf32, #tpu.memory_space<vmem_shared>> -> memref<80x128xf32, #tpu.memory_space<vmem_shared>>
      %dma_start3A_60 = arith.constant 0 : i32
      %dma_start3A_61 = tpu.memref_slice %arg8[%add3A_11, %dma_start3A_60] : memref<10240x128xf32, #tpu.memory_space<vmem_shared>> -> memref<80x128xf32, #tpu.memory_space<vmem_shared>>
      %dma_start3A_62 = arith.constant 0 : i32
      %dma_start3A_63 = arith.constant 0 : i32
      %dma_start3A_64 = tpu.memref_slice %arg12[%run_scoped3A, %dma_start3A_62, %dma_start3A_63] : memref<2x80x128xf32, #tpu.memory_space<vmem>> -> memref<1x80x128xf32, #tpu.memory_space<vmem>>
      %dma_start3A_65 = tpu.memref_squeeze %dma_start3A_64 : memref<1x80x128xf32, #tpu.memory_space<vmem>> -> memref<80x128xf32, #tpu.memory_space<vmem>>
      tpu.enqueue_dma source(%dma_start3A_65 : memref<80x128xf32, #tpu.memory_space<vmem>>) target(%dma_start3A_61 : memref<80x128xf32, #tpu.memory_space<vmem_shared>>) target_semaphore(%run_scoped3A_54 : memref<!tpu.dma_semaphore, #tpu.memory_space<semaphore_mem>>)
      %dma_wait3A = arith.constant 0 : i32
      %dma_wait3A_66 = arith.constant 0 : i32
      %dma_wait3A_67 = tpu.memref_slice %arg12[%run_scoped3A, %dma_wait3A, %dma_wait3A_66] : memref<2x80x128xf32, #tpu.memory_space<vmem>> -> memref<1x80x128xf32, #tpu.memory_space<vmem>>
      %dma_wait3A_68 = tpu.memref_squeeze %dma_wait3A_67 : memref<1x80x128xf32, #tpu.memory_space<vmem>> -> memref<80x128xf32, #tpu.memory_space<vmem>>
      %dma_wait3A_69 = arith.constant 0 : i32
      %dma_wait3A_70 = tpu.memref_slice %arg8[%add3A_11, %dma_wait3A_69] : memref<10240x128xf32, #tpu.memory_space<vmem_shared>> -> memref<80x128xf32, #tpu.memory_space<vmem_shared>>
      %dma_wait3A_71 = arith.constant 0 : i32
      %dma_wait3A_72 = tpu.memref_slice %arg8[%add3A_11, %dma_wait3A_71] : memref<10240x128xf32, #tpu.memory_space<vmem_shared>> -> memref<80x128xf32, #tpu.memory_space<vmem_shared>>
      %dma_wait3A_73 = arith.constant 0 : i32
      %dma_wait3A_74 = arith.constant 0 : i32
      %dma_wait3A_75 = tpu.memref_slice %arg12[%run_scoped3A, %dma_wait3A_73, %dma_wait3A_74] : memref<2x80x128xf32, #tpu.memory_space<vmem>> -> memref<1x80x128xf32, #tpu.memory_space<vmem>>
      %dma_wait3A_76 = tpu.memref_squeeze %dma_wait3A_75 : memref<1x80x128xf32, #tpu.memory_space<vmem>> -> memref<80x128xf32, #tpu.memory_space<vmem>>
      tpu.wait_dma2 semaphore(%run_scoped3A_54 : memref<!tpu.dma_semaphore, #tpu.memory_space<semaphore_mem>>) src(%dma_wait3A_76 : memref<80x128xf32, #tpu.memory_space<vmem>>) dst(%dma_wait3A_72 : memref<80x128xf32, #tpu.memory_space<vmem_shared>>)
      tpu.yield
    }) : () -> ()
    %run_scoped3A_12 = arith.constant 0 : i32
    "tpu.region"() ({
      %run_scoped3A_54 = tpu.sem_alloc : memref<!tpu.dma_semaphore, #tpu.memory_space<semaphore_mem>>
      %dma_start3A = arith.constant 0 : i32
      %dma_start3A_55 = arith.constant 0 : i32
      %dma_start3A_56 = tpu.memref_slice %arg13[%run_scoped3A_12, %dma_start3A, %dma_start3A_55] : memref<2x80x24xf32, #tpu.memory_space<vmem>> -> memref<1x80x24xf32, #tpu.memory_space<vmem>>
      %dma_start3A_57 = tpu.memref_squeeze %dma_start3A_56 : memref<1x80x24xf32, #tpu.memory_space<vmem>> -> memref<80x24xf32, #tpu.memory_space<vmem>>
      %dma_start3A_58 = arith.constant 0 : i32
      %dma_start3A_59 = tpu.memref_slice %arg9[%add3A_11, %dma_start3A_58] : memref<10240x24xf32, #tpu.memory_space<vmem_shared>> -> memref<80x24xf32, #tpu.memory_space<vmem_shared>>
      %dma_start3A_60 = arith.constant 0 : i32
      %dma_start3A_61 = tpu.memref_slice %arg9[%add3A_11, %dma_start3A_60] : memref<10240x24xf32, #tpu.memory_space<vmem_shared>> -> memref<80x24xf32, #tpu.memory_space<vmem_shared>>
      %dma_start3A_62 = arith.constant 0 : i32
      %dma_start3A_63 = arith.constant 0 : i32
      %dma_start3A_64 = tpu.memref_slice %arg13[%run_scoped3A_12, %dma_start3A_62, %dma_start3A_63] : memref<2x80x24xf32, #tpu.memory_space<vmem>> -> memref<1x80x24xf32, #tpu.memory_space<vmem>>
      %dma_start3A_65 = tpu.memref_squeeze %dma_start3A_64 : memref<1x80x24xf32, #tpu.memory_space<vmem>> -> memref<80x24xf32, #tpu.memory_space<vmem>>
      tpu.enqueue_dma source(%dma_start3A_65 : memref<80x24xf32, #tpu.memory_space<vmem>>) target(%dma_start3A_61 : memref<80x24xf32, #tpu.memory_space<vmem_shared>>) target_semaphore(%run_scoped3A_54 : memref<!tpu.dma_semaphore, #tpu.memory_space<semaphore_mem>>)
      %dma_wait3A = arith.constant 0 : i32
      %dma_wait3A_66 = arith.constant 0 : i32
      %dma_wait3A_67 = tpu.memref_slice %arg13[%run_scoped3A_12, %dma_wait3A, %dma_wait3A_66] : memref<2x80x24xf32, #tpu.memory_space<vmem>> -> memref<1x80x24xf32, #tpu.memory_space<vmem>>
      %dma_wait3A_68 = tpu.memref_squeeze %dma_wait3A_67 : memref<1x80x24xf32, #tpu.memory_space<vmem>> -> memref<80x24xf32, #tpu.memory_space<vmem>>
      %dma_wait3A_69 = arith.constant 0 : i32
      %dma_wait3A_70 = tpu.memref_slice %arg9[%add3A_11, %dma_wait3A_69] : memref<10240x24xf32, #tpu.memory_space<vmem_shared>> -> memref<80x24xf32, #tpu.memory_space<vmem_shared>>
      %dma_wait3A_71 = arith.constant 0 : i32
      %dma_wait3A_72 = tpu.memref_slice %arg9[%add3A_11, %dma_wait3A_71] : memref<10240x24xf32, #tpu.memory_space<vmem_shared>> -> memref<80x24xf32, #tpu.memory_space<vmem_shared>>
      %dma_wait3A_73 = arith.constant 0 : i32
      %dma_wait3A_74 = arith.constant 0 : i32
      %dma_wait3A_75 = tpu.memref_slice %arg13[%run_scoped3A_12, %dma_wait3A_73, %dma_wait3A_74] : memref<2x80x24xf32, #tpu.memory_space<vmem>> -> memref<1x80x24xf32, #tpu.memory_space<vmem>>
      %dma_wait3A_76 = tpu.memref_squeeze %dma_wait3A_75 : memref<1x80x24xf32, #tpu.memory_space<vmem>> -> memref<80x24xf32, #tpu.memory_space<vmem>>
      tpu.wait_dma2 semaphore(%run_scoped3A_54 : memref<!tpu.dma_semaphore, #tpu.memory_space<semaphore_mem>>) src(%dma_wait3A_76 : memref<80x24xf32, #tpu.memory_space<vmem>>) dst(%dma_wait3A_72 : memref<80x24xf32, #tpu.memory_space<vmem_shared>>)
      tpu.yield
    }) : () -> ()
    %add3A_13 = arith.constant 80 : i32
    %add3A_14 = arith.addi %mul3A_2, %add3A_13 : i32
    %run_scoped3A_15 = arith.constant 0 : i32
    "tpu.region"() ({
      %run_scoped3A_54 = tpu.sem_alloc : memref<!tpu.dma_semaphore, #tpu.memory_space<semaphore_mem>>
      %dma_start3A = arith.constant 0 : i32
      %dma_start3A_55 = arith.constant 0 : i32
      %dma_start3A_56 = tpu.memref_slice %arg12[%run_scoped3A_15, %dma_start3A, %dma_start3A_55] : memref<2x80x128xf32, #tpu.memory_space<vmem>> -> memref<1x80x128xf32, #tpu.memory_space<vmem>>
      %dma_start3A_57 = tpu.memref_squeeze %dma_start3A_56 : memref<1x80x128xf32, #tpu.memory_space<vmem>> -> memref<80x128xf32, #tpu.memory_space<vmem>>
      %dma_start3A_58 = arith.constant 0 : i32
      %dma_start3A_59 = tpu.memref_slice %arg8[%add3A_14, %dma_start3A_58] : memref<10240x128xf32, #tpu.memory_space<vmem_shared>> -> memref<80x128xf32, #tpu.memory_space<vmem_shared>>
      %dma_start3A_60 = arith.constant 0 : i32
      %dma_start3A_61 = tpu.memref_slice %arg8[%add3A_14, %dma_start3A_60] : memref<10240x128xf32, #tpu.memory_space<vmem_shared>> -> memref<80x128xf32, #tpu.memory_space<vmem_shared>>
      %dma_start3A_62 = arith.constant 0 : i32
      %dma_start3A_63 = arith.constant 0 : i32
      %dma_start3A_64 = tpu.memref_slice %arg12[%run_scoped3A_15, %dma_start3A_62, %dma_start3A_63] : memref<2x80x128xf32, #tpu.memory_space<vmem>> -> memref<1x80x128xf32, #tpu.memory_space<vmem>>
      %dma_start3A_65 = tpu.memref_squeeze %dma_start3A_64 : memref<1x80x128xf32, #tpu.memory_space<vmem>> -> memref<80x128xf32, #tpu.memory_space<vmem>>
      tpu.enqueue_dma source(%dma_start3A_65 : memref<80x128xf32, #tpu.memory_space<vmem>>) target(%dma_start3A_61 : memref<80x128xf32, #tpu.memory_space<vmem_shared>>) target_semaphore(%run_scoped3A_54 : memref<!tpu.dma_semaphore, #tpu.memory_space<semaphore_mem>>)
      %dma_wait3A = arith.constant 0 : i32
      %dma_wait3A_66 = arith.constant 0 : i32
      %dma_wait3A_67 = tpu.memref_slice %arg12[%run_scoped3A_15, %dma_wait3A, %dma_wait3A_66] : memref<2x80x128xf32, #tpu.memory_space<vmem>> -> memref<1x80x128xf32, #tpu.memory_space<vmem>>
      %dma_wait3A_68 = tpu.memref_squeeze %dma_wait3A_67 : memref<1x80x128xf32, #tpu.memory_space<vmem>> -> memref<80x128xf32, #tpu.memory_space<vmem>>
      %dma_wait3A_69 = arith.constant 0 : i32
      %dma_wait3A_70 = tpu.memref_slice %arg8[%add3A_14, %dma_wait3A_69] : memref<10240x128xf32, #tpu.memory_space<vmem_shared>> -> memref<80x128xf32, #tpu.memory_space<vmem_shared>>
      %dma_wait3A_71 = arith.constant 0 : i32
      %dma_wait3A_72 = tpu.memref_slice %arg8[%add3A_14, %dma_wait3A_71] : memref<10240x128xf32, #tpu.memory_space<vmem_shared>> -> memref<80x128xf32, #tpu.memory_space<vmem_shared>>
      %dma_wait3A_73 = arith.constant 0 : i32
      %dma_wait3A_74 = arith.constant 0 : i32
      %dma_wait3A_75 = tpu.memref_slice %arg12[%run_scoped3A_15, %dma_wait3A_73, %dma_wait3A_74] : memref<2x80x128xf32, #tpu.memory_space<vmem>> -> memref<1x80x128xf32, #tpu.memory_space<vmem>>
      %dma_wait3A_76 = tpu.memref_squeeze %dma_wait3A_75 : memref<1x80x128xf32, #tpu.memory_space<vmem>> -> memref<80x128xf32, #tpu.memory_space<vmem>>
      tpu.wait_dma2 semaphore(%run_scoped3A_54 : memref<!tpu.dma_semaphore, #tpu.memory_space<semaphore_mem>>) src(%dma_wait3A_76 : memref<80x128xf32, #tpu.memory_space<vmem>>) dst(%dma_wait3A_72 : memref<80x128xf32, #tpu.memory_space<vmem_shared>>)
      tpu.yield
    }) : () -> ()
    %run_scoped3A_16 = arith.constant 0 : i32
    "tpu.region"() ({
      %run_scoped3A_54 = tpu.sem_alloc : memref<!tpu.dma_semaphore, #tpu.memory_space<semaphore_mem>>
      %dma_start3A = arith.constant 0 : i32
      %dma_start3A_55 = arith.constant 0 : i32
      %dma_start3A_56 = tpu.memref_slice %arg13[%run_scoped3A_16, %dma_start3A, %dma_start3A_55] : memref<2x80x24xf32, #tpu.memory_space<vmem>> -> memref<1x80x24xf32, #tpu.memory_space<vmem>>
      %dma_start3A_57 = tpu.memref_squeeze %dma_start3A_56 : memref<1x80x24xf32, #tpu.memory_space<vmem>> -> memref<80x24xf32, #tpu.memory_space<vmem>>
      %dma_start3A_58 = arith.constant 0 : i32
      %dma_start3A_59 = tpu.memref_slice %arg9[%add3A_14, %dma_start3A_58] : memref<10240x24xf32, #tpu.memory_space<vmem_shared>> -> memref<80x24xf32, #tpu.memory_space<vmem_shared>>
      %dma_start3A_60 = arith.constant 0 : i32
      %dma_start3A_61 = tpu.memref_slice %arg9[%add3A_14, %dma_start3A_60] : memref<10240x24xf32, #tpu.memory_space<vmem_shared>> -> memref<80x24xf32, #tpu.memory_space<vmem_shared>>
      %dma_start3A_62 = arith.constant 0 : i32
      %dma_start3A_63 = arith.constant 0 : i32
      %dma_start3A_64 = tpu.memref_slice %arg13[%run_scoped3A_16, %dma_start3A_62, %dma_start3A_63] : memref<2x80x24xf32, #tpu.memory_space<vmem>> -> memref<1x80x24xf32, #tpu.memory_space<vmem>>
      %dma_start3A_65 = tpu.memref_squeeze %dma_start3A_64 : memref<1x80x24xf32, #tpu.memory_space<vmem>> -> memref<80x24xf32, #tpu.memory_space<vmem>>
      tpu.enqueue_dma source(%dma_start3A_65 : memref<80x24xf32, #tpu.memory_space<vmem>>) target(%dma_start3A_61 : memref<80x24xf32, #tpu.memory_space<vmem_shared>>) target_semaphore(%run_scoped3A_54 : memref<!tpu.dma_semaphore, #tpu.memory_space<semaphore_mem>>)
      %dma_wait3A = arith.constant 0 : i32
      %dma_wait3A_66 = arith.constant 0 : i32
      %dma_wait3A_67 = tpu.memref_slice %arg13[%run_scoped3A_16, %dma_wait3A, %dma_wait3A_66] : memref<2x80x24xf32, #tpu.memory_space<vmem>> -> memref<1x80x24xf32, #tpu.memory_space<vmem>>
      %dma_wait3A_68 = tpu.memref_squeeze %dma_wait3A_67 : memref<1x80x24xf32, #tpu.memory_space<vmem>> -> memref<80x24xf32, #tpu.memory_space<vmem>>
      %dma_wait3A_69 = arith.constant 0 : i32
      %dma_wait3A_70 = tpu.memref_slice %arg9[%add3A_14, %dma_wait3A_69] : memref<10240x24xf32, #tpu.memory_space<vmem_shared>> -> memref<80x24xf32, #tpu.memory_space<vmem_shared>>
      %dma_wait3A_71 = arith.constant 0 : i32
      %dma_wait3A_72 = tpu.memref_slice %arg9[%add3A_14, %dma_wait3A_71] : memref<10240x24xf32, #tpu.memory_space<vmem_shared>> -> memref<80x24xf32, #tpu.memory_space<vmem_shared>>
      %dma_wait3A_73 = arith.constant 0 : i32
      %dma_wait3A_74 = arith.constant 0 : i32
      %dma_wait3A_75 = tpu.memref_slice %arg13[%run_scoped3A_16, %dma_wait3A_73, %dma_wait3A_74] : memref<2x80x24xf32, #tpu.memory_space<vmem>> -> memref<1x80x24xf32, #tpu.memory_space<vmem>>
      %dma_wait3A_76 = tpu.memref_squeeze %dma_wait3A_75 : memref<1x80x24xf32, #tpu.memory_space<vmem>> -> memref<80x24xf32, #tpu.memory_space<vmem>>
      tpu.wait_dma2 semaphore(%run_scoped3A_54 : memref<!tpu.dma_semaphore, #tpu.memory_space<semaphore_mem>>) src(%dma_wait3A_76 : memref<80x24xf32, #tpu.memory_space<vmem>>) dst(%dma_wait3A_72 : memref<80x24xf32, #tpu.memory_space<vmem_shared>>)
      tpu.yield
    }) : () -> ()
    %add3A_17 = arith.constant 160 : i32
    %add3A_18 = arith.addi %mul3A_2, %add3A_17 : i32
    %run_scoped3A_19 = arith.constant 0 : i32
    "tpu.region"() ({
      %run_scoped3A_54 = tpu.sem_alloc : memref<!tpu.dma_semaphore, #tpu.memory_space<semaphore_mem>>
      %dma_start3A = arith.constant 0 : i32
      %dma_start3A_55 = arith.constant 0 : i32
      %dma_start3A_56 = tpu.memref_slice %arg12[%run_scoped3A_19, %dma_start3A, %dma_start3A_55] : memref<2x80x128xf32, #tpu.memory_space<vmem>> -> memref<1x80x128xf32, #tpu.memory_space<vmem>>
      %dma_start3A_57 = tpu.memref_squeeze %dma_start3A_56 : memref<1x80x128xf32, #tpu.memory_space<vmem>> -> memref<80x128xf32, #tpu.memory_space<vmem>>
      %dma_start3A_58 = arith.constant 0 : i32
      %dma_start3A_59 = tpu.memref_slice %arg8[%add3A_18, %dma_start3A_58] : memref<10240x128xf32, #tpu.memory_space<vmem_shared>> -> memref<80x128xf32, #tpu.memory_space<vmem_shared>>
      %dma_start3A_60 = arith.constant 0 : i32
      %dma_start3A_61 = tpu.memref_slice %arg8[%add3A_18, %dma_start3A_60] : memref<10240x128xf32, #tpu.memory_space<vmem_shared>> -> memref<80x128xf32, #tpu.memory_space<vmem_shared>>
      %dma_start3A_62 = arith.constant 0 : i32
      %dma_start3A_63 = arith.constant 0 : i32
      %dma_start3A_64 = tpu.memref_slice %arg12[%run_scoped3A_19, %dma_start3A_62, %dma_start3A_63] : memref<2x80x128xf32, #tpu.memory_space<vmem>> -> memref<1x80x128xf32, #tpu.memory_space<vmem>>
      %dma_start3A_65 = tpu.memref_squeeze %dma_start3A_64 : memref<1x80x128xf32, #tpu.memory_space<vmem>> -> memref<80x128xf32, #tpu.memory_space<vmem>>
      tpu.enqueue_dma source(%dma_start3A_65 : memref<80x128xf32, #tpu.memory_space<vmem>>) target(%dma_start3A_61 : memref<80x128xf32, #tpu.memory_space<vmem_shared>>) target_semaphore(%run_scoped3A_54 : memref<!tpu.dma_semaphore, #tpu.memory_space<semaphore_mem>>)
      %dma_wait3A = arith.constant 0 : i32
      %dma_wait3A_66 = arith.constant 0 : i32
      %dma_wait3A_67 = tpu.memref_slice %arg12[%run_scoped3A_19, %dma_wait3A, %dma_wait3A_66] : memref<2x80x128xf32, #tpu.memory_space<vmem>> -> memref<1x80x128xf32, #tpu.memory_space<vmem>>
      %dma_wait3A_68 = tpu.memref_squeeze %dma_wait3A_67 : memref<1x80x128xf32, #tpu.memory_space<vmem>> -> memref<80x128xf32, #tpu.memory_space<vmem>>
      %dma_wait3A_69 = arith.constant 0 : i32
      %dma_wait3A_70 = tpu.memref_slice %arg8[%add3A_18, %dma_wait3A_69] : memref<10240x128xf32, #tpu.memory_space<vmem_shared>> -> memref<80x128xf32, #tpu.memory_space<vmem_shared>>
      %dma_wait3A_71 = arith.constant 0 : i32
      %dma_wait3A_72 = tpu.memref_slice %arg8[%add3A_18, %dma_wait3A_71] : memref<10240x128xf32, #tpu.memory_space<vmem_shared>> -> memref<80x128xf32, #tpu.memory_space<vmem_shared>>
      %dma_wait3A_73 = arith.constant 0 : i32
      %dma_wait3A_74 = arith.constant 0 : i32
      %dma_wait3A_75 = tpu.memref_slice %arg12[%run_scoped3A_19, %dma_wait3A_73, %dma_wait3A_74] : memref<2x80x128xf32, #tpu.memory_space<vmem>> -> memref<1x80x128xf32, #tpu.memory_space<vmem>>
      %dma_wait3A_76 = tpu.memref_squeeze %dma_wait3A_75 : memref<1x80x128xf32, #tpu.memory_space<vmem>> -> memref<80x128xf32, #tpu.memory_space<vmem>>
      tpu.wait_dma2 semaphore(%run_scoped3A_54 : memref<!tpu.dma_semaphore, #tpu.memory_space<semaphore_mem>>) src(%dma_wait3A_76 : memref<80x128xf32, #tpu.memory_space<vmem>>) dst(%dma_wait3A_72 : memref<80x128xf32, #tpu.memory_space<vmem_shared>>)
      tpu.yield
    }) : () -> ()
    %run_scoped3A_20 = arith.constant 0 : i32
    "tpu.region"() ({
      %run_scoped3A_54 = tpu.sem_alloc : memref<!tpu.dma_semaphore, #tpu.memory_space<semaphore_mem>>
      %dma_start3A = arith.constant 0 : i32
      %dma_start3A_55 = arith.constant 0 : i32
      %dma_start3A_56 = tpu.memref_slice %arg13[%run_scoped3A_20, %dma_start3A, %dma_start3A_55] : memref<2x80x24xf32, #tpu.memory_space<vmem>> -> memref<1x80x24xf32, #tpu.memory_space<vmem>>
      %dma_start3A_57 = tpu.memref_squeeze %dma_start3A_56 : memref<1x80x24xf32, #tpu.memory_space<vmem>> -> memref<80x24xf32, #tpu.memory_space<vmem>>
      %dma_start3A_58 = arith.constant 0 : i32
      %dma_start3A_59 = tpu.memref_slice %arg9[%add3A_18, %dma_start3A_58] : memref<10240x24xf32, #tpu.memory_space<vmem_shared>> -> memref<80x24xf32, #tpu.memory_space<vmem_shared>>
      %dma_start3A_60 = arith.constant 0 : i32
      %dma_start3A_61 = tpu.memref_slice %arg9[%add3A_18, %dma_start3A_60] : memref<10240x24xf32, #tpu.memory_space<vmem_shared>> -> memref<80x24xf32, #tpu.memory_space<vmem_shared>>
      %dma_start3A_62 = arith.constant 0 : i32
      %dma_start3A_63 = arith.constant 0 : i32
      %dma_start3A_64 = tpu.memref_slice %arg13[%run_scoped3A_20, %dma_start3A_62, %dma_start3A_63] : memref<2x80x24xf32, #tpu.memory_space<vmem>> -> memref<1x80x24xf32, #tpu.memory_space<vmem>>
      %dma_start3A_65 = tpu.memref_squeeze %dma_start3A_64 : memref<1x80x24xf32, #tpu.memory_space<vmem>> -> memref<80x24xf32, #tpu.memory_space<vmem>>
      tpu.enqueue_dma source(%dma_start3A_65 : memref<80x24xf32, #tpu.memory_space<vmem>>) target(%dma_start3A_61 : memref<80x24xf32, #tpu.memory_space<vmem_shared>>) target_semaphore(%run_scoped3A_54 : memref<!tpu.dma_semaphore, #tpu.memory_space<semaphore_mem>>)
      %dma_wait3A = arith.constant 0 : i32
      %dma_wait3A_66 = arith.constant 0 : i32
      %dma_wait3A_67 = tpu.memref_slice %arg13[%run_scoped3A_20, %dma_wait3A, %dma_wait3A_66] : memref<2x80x24xf32, #tpu.memory_space<vmem>> -> memref<1x80x24xf32, #tpu.memory_space<vmem>>
      %dma_wait3A_68 = tpu.memref_squeeze %dma_wait3A_67 : memref<1x80x24xf32, #tpu.memory_space<vmem>> -> memref<80x24xf32, #tpu.memory_space<vmem>>
      %dma_wait3A_69 = arith.constant 0 : i32
      %dma_wait3A_70 = tpu.memref_slice %arg9[%add3A_18, %dma_wait3A_69] : memref<10240x24xf32, #tpu.memory_space<vmem_shared>> -> memref<80x24xf32, #tpu.memory_space<vmem_shared>>
      %dma_wait3A_71 = arith.constant 0 : i32
      %dma_wait3A_72 = tpu.memref_slice %arg9[%add3A_18, %dma_wait3A_71] : memref<10240x24xf32, #tpu.memory_space<vmem_shared>> -> memref<80x24xf32, #tpu.memory_space<vmem_shared>>
      %dma_wait3A_73 = arith.constant 0 : i32
      %dma_wait3A_74 = arith.constant 0 : i32
      %dma_wait3A_75 = tpu.memref_slice %arg13[%run_scoped3A_20, %dma_wait3A_73, %dma_wait3A_74] : memref<2x80x24xf32, #tpu.memory_space<vmem>> -> memref<1x80x24xf32, #tpu.memory_space<vmem>>
      %dma_wait3A_76 = tpu.memref_squeeze %dma_wait3A_75 : memref<1x80x24xf32, #tpu.memory_space<vmem>> -> memref<80x24xf32, #tpu.memory_space<vmem>>
      tpu.wait_dma2 semaphore(%run_scoped3A_54 : memref<!tpu.dma_semaphore, #tpu.memory_space<semaphore_mem>>) src(%dma_wait3A_76 : memref<80x24xf32, #tpu.memory_space<vmem>>) dst(%dma_wait3A_72 : memref<80x24xf32, #tpu.memory_space<vmem_shared>>)
      tpu.yield
    }) : () -> ()
    %add3A_21 = arith.constant 240 : i32
    %add3A_22 = arith.addi %mul3A_2, %add3A_21 : i32
    %run_scoped3A_23 = arith.constant 0 : i32
    "tpu.region"() ({
      %run_scoped3A_54 = tpu.sem_alloc : memref<!tpu.dma_semaphore, #tpu.memory_space<semaphore_mem>>
      %dma_start3A = arith.constant 0 : i32
      %dma_start3A_55 = arith.constant 0 : i32
      %dma_start3A_56 = tpu.memref_slice %arg12[%run_scoped3A_23, %dma_start3A, %dma_start3A_55] : memref<2x80x128xf32, #tpu.memory_space<vmem>> -> memref<1x80x128xf32, #tpu.memory_space<vmem>>
      %dma_start3A_57 = tpu.memref_squeeze %dma_start3A_56 : memref<1x80x128xf32, #tpu.memory_space<vmem>> -> memref<80x128xf32, #tpu.memory_space<vmem>>
      %dma_start3A_58 = arith.constant 0 : i32
      %dma_start3A_59 = tpu.memref_slice %arg8[%add3A_22, %dma_start3A_58] : memref<10240x128xf32, #tpu.memory_space<vmem_shared>> -> memref<80x128xf32, #tpu.memory_space<vmem_shared>>
      %dma_start3A_60 = arith.constant 0 : i32
      %dma_start3A_61 = tpu.memref_slice %arg8[%add3A_22, %dma_start3A_60] : memref<10240x128xf32, #tpu.memory_space<vmem_shared>> -> memref<80x128xf32, #tpu.memory_space<vmem_shared>>
      %dma_start3A_62 = arith.constant 0 : i32
      %dma_start3A_63 = arith.constant 0 : i32
      %dma_start3A_64 = tpu.memref_slice %arg12[%run_scoped3A_23, %dma_start3A_62, %dma_start3A_63] : memref<2x80x128xf32, #tpu.memory_space<vmem>> -> memref<1x80x128xf32, #tpu.memory_space<vmem>>
      %dma_start3A_65 = tpu.memref_squeeze %dma_start3A_64 : memref<1x80x128xf32, #tpu.memory_space<vmem>> -> memref<80x128xf32, #tpu.memory_space<vmem>>
      tpu.enqueue_dma source(%dma_start3A_65 : memref<80x128xf32, #tpu.memory_space<vmem>>) target(%dma_start3A_61 : memref<80x128xf32, #tpu.memory_space<vmem_shared>>) target_semaphore(%run_scoped3A_54 : memref<!tpu.dma_semaphore, #tpu.memory_space<semaphore_mem>>)
      %dma_wait3A = arith.constant 0 : i32
      %dma_wait3A_66 = arith.constant 0 : i32
      %dma_wait3A_67 = tpu.memref_slice %arg12[%run_scoped3A_23, %dma_wait3A, %dma_wait3A_66] : memref<2x80x128xf32, #tpu.memory_space<vmem>> -> memref<1x80x128xf32, #tpu.memory_space<vmem>>
      %dma_wait3A_68 = tpu.memref_squeeze %dma_wait3A_67 : memref<1x80x128xf32, #tpu.memory_space<vmem>> -> memref<80x128xf32, #tpu.memory_space<vmem>>
      %dma_wait3A_69 = arith.constant 0 : i32
      %dma_wait3A_70 = tpu.memref_slice %arg8[%add3A_22, %dma_wait3A_69] : memref<10240x128xf32, #tpu.memory_space<vmem_shared>> -> memref<80x128xf32, #tpu.memory_space<vmem_shared>>
      %dma_wait3A_71 = arith.constant 0 : i32
      %dma_wait3A_72 = tpu.memref_slice %arg8[%add3A_22, %dma_wait3A_71] : memref<10240x128xf32, #tpu.memory_space<vmem_shared>> -> memref<80x128xf32, #tpu.memory_space<vmem_shared>>
      %dma_wait3A_73 = arith.constant 0 : i32
      %dma_wait3A_74 = arith.constant 0 : i32
      %dma_wait3A_75 = tpu.memref_slice %arg12[%run_scoped3A_23, %dma_wait3A_73, %dma_wait3A_74] : memref<2x80x128xf32, #tpu.memory_space<vmem>> -> memref<1x80x128xf32, #tpu.memory_space<vmem>>
      %dma_wait3A_76 = tpu.memref_squeeze %dma_wait3A_75 : memref<1x80x128xf32, #tpu.memory_space<vmem>> -> memref<80x128xf32, #tpu.memory_space<vmem>>
      tpu.wait_dma2 semaphore(%run_scoped3A_54 : memref<!tpu.dma_semaphore, #tpu.memory_space<semaphore_mem>>) src(%dma_wait3A_76 : memref<80x128xf32, #tpu.memory_space<vmem>>) dst(%dma_wait3A_72 : memref<80x128xf32, #tpu.memory_space<vmem_shared>>)
      tpu.yield
    }) : () -> ()
    %run_scoped3A_24 = arith.constant 0 : i32
    "tpu.region"() ({
      %run_scoped3A_54 = tpu.sem_alloc : memref<!tpu.dma_semaphore, #tpu.memory_space<semaphore_mem>>
      %dma_start3A = arith.constant 0 : i32
      %dma_start3A_55 = arith.constant 0 : i32
      %dma_start3A_56 = tpu.memref_slice %arg13[%run_scoped3A_24, %dma_start3A, %dma_start3A_55] : memref<2x80x24xf32, #tpu.memory_space<vmem>> -> memref<1x80x24xf32, #tpu.memory_space<vmem>>
      %dma_start3A_57 = tpu.memref_squeeze %dma_start3A_56 : memref<1x80x24xf32, #tpu.memory_space<vmem>> -> memref<80x24xf32, #tpu.memory_space<vmem>>
      %dma_start3A_58 = arith.constant 0 : i32
      %dma_start3A_59 = tpu.memref_slice %arg9[%add3A_22, %dma_start3A_58] : memref<10240x24xf32, #tpu.memory_space<vmem_shared>> -> memref<80x24xf32, #tpu.memory_space<vmem_shared>>
      %dma_start3A_60 = arith.constant 0 : i32
      %dma_start3A_61 = tpu.memref_slice %arg9[%add3A_22, %dma_start3A_60] : memref<10240x24xf32, #tpu.memory_space<vmem_shared>> -> memref<80x24xf32, #tpu.memory_space<vmem_shared>>
      %dma_start3A_62 = arith.constant 0 : i32
      %dma_start3A_63 = arith.constant 0 : i32
      %dma_start3A_64 = tpu.memref_slice %arg13[%run_scoped3A_24, %dma_start3A_62, %dma_start3A_63] : memref<2x80x24xf32, #tpu.memory_space<vmem>> -> memref<1x80x24xf32, #tpu.memory_space<vmem>>
      %dma_start3A_65 = tpu.memref_squeeze %dma_start3A_64 : memref<1x80x24xf32, #tpu.memory_space<vmem>> -> memref<80x24xf32, #tpu.memory_space<vmem>>
      tpu.enqueue_dma source(%dma_start3A_65 : memref<80x24xf32, #tpu.memory_space<vmem>>) target(%dma_start3A_61 : memref<80x24xf32, #tpu.memory_space<vmem_shared>>) target_semaphore(%run_scoped3A_54 : memref<!tpu.dma_semaphore, #tpu.memory_space<semaphore_mem>>)
      %dma_wait3A = arith.constant 0 : i32
      %dma_wait3A_66 = arith.constant 0 : i32
      %dma_wait3A_67 = tpu.memref_slice %arg13[%run_scoped3A_24, %dma_wait3A, %dma_wait3A_66] : memref<2x80x24xf32, #tpu.memory_space<vmem>> -> memref<1x80x24xf32, #tpu.memory_space<vmem>>
      %dma_wait3A_68 = tpu.memref_squeeze %dma_wait3A_67 : memref<1x80x24xf32, #tpu.memory_space<vmem>> -> memref<80x24xf32, #tpu.memory_space<vmem>>
      %dma_wait3A_69 = arith.constant 0 : i32
      %dma_wait3A_70 = tpu.memref_slice %arg9[%add3A_22, %dma_wait3A_69] : memref<10240x24xf32, #tpu.memory_space<vmem_shared>> -> memref<80x24xf32, #tpu.memory_space<vmem_shared>>
      %dma_wait3A_71 = arith.constant 0 : i32
      %dma_wait3A_72 = tpu.memref_slice %arg9[%add3A_22, %dma_wait3A_71] : memref<10240x24xf32, #tpu.memory_space<vmem_shared>> -> memref<80x24xf32, #tpu.memory_space<vmem_shared>>
      %dma_wait3A_73 = arith.constant 0 : i32
      %dma_wait3A_74 = arith.constant 0 : i32
      %dma_wait3A_75 = tpu.memref_slice %arg13[%run_scoped3A_24, %dma_wait3A_73, %dma_wait3A_74] : memref<2x80x24xf32, #tpu.memory_space<vmem>> -> memref<1x80x24xf32, #tpu.memory_space<vmem>>
      %dma_wait3A_76 = tpu.memref_squeeze %dma_wait3A_75 : memref<1x80x24xf32, #tpu.memory_space<vmem>> -> memref<80x24xf32, #tpu.memory_space<vmem>>
      tpu.wait_dma2 semaphore(%run_scoped3A_54 : memref<!tpu.dma_semaphore, #tpu.memory_space<semaphore_mem>>) src(%dma_wait3A_76 : memref<80x24xf32, #tpu.memory_space<vmem>>) dst(%dma_wait3A_72 : memref<80x24xf32, #tpu.memory_space<vmem_shared>>)
      tpu.yield
    }) : () -> ()
    %add3A_25 = arith.constant 320 : i32
    %add3A_26 = arith.addi %mul3A_2, %add3A_25 : i32
    %run_scoped3A_27 = arith.constant 0 : i32
    "tpu.region"() ({
      %run_scoped3A_54 = tpu.sem_alloc : memref<!tpu.dma_semaphore, #tpu.memory_space<semaphore_mem>>
      %dma_start3A = arith.constant 0 : i32
      %dma_start3A_55 = arith.constant 0 : i32
      %dma_start3A_56 = tpu.memref_slice %arg12[%run_scoped3A_27, %dma_start3A, %dma_start3A_55] : memref<2x80x128xf32, #tpu.memory_space<vmem>> -> memref<1x80x128xf32, #tpu.memory_space<vmem>>
      %dma_start3A_57 = tpu.memref_squeeze %dma_start3A_56 : memref<1x80x128xf32, #tpu.memory_space<vmem>> -> memref<80x128xf32, #tpu.memory_space<vmem>>
      %dma_start3A_58 = arith.constant 0 : i32
      %dma_start3A_59 = tpu.memref_slice %arg8[%add3A_26, %dma_start3A_58] : memref<10240x128xf32, #tpu.memory_space<vmem_shared>> -> memref<80x128xf32, #tpu.memory_space<vmem_shared>>
      %dma_start3A_60 = arith.constant 0 : i32
      %dma_start3A_61 = tpu.memref_slice %arg8[%add3A_26, %dma_start3A_60] : memref<10240x128xf32, #tpu.memory_space<vmem_shared>> -> memref<80x128xf32, #tpu.memory_space<vmem_shared>>
      %dma_start3A_62 = arith.constant 0 : i32
      %dma_start3A_63 = arith.constant 0 : i32
      %dma_start3A_64 = tpu.memref_slice %arg12[%run_scoped3A_27, %dma_start3A_62, %dma_start3A_63] : memref<2x80x128xf32, #tpu.memory_space<vmem>> -> memref<1x80x128xf32, #tpu.memory_space<vmem>>
      %dma_start3A_65 = tpu.memref_squeeze %dma_start3A_64 : memref<1x80x128xf32, #tpu.memory_space<vmem>> -> memref<80x128xf32, #tpu.memory_space<vmem>>
      tpu.enqueue_dma source(%dma_start3A_65 : memref<80x128xf32, #tpu.memory_space<vmem>>) target(%dma_start3A_61 : memref<80x128xf32, #tpu.memory_space<vmem_shared>>) target_semaphore(%run_scoped3A_54 : memref<!tpu.dma_semaphore, #tpu.memory_space<semaphore_mem>>)
      %dma_wait3A = arith.constant 0 : i32
      %dma_wait3A_66 = arith.constant 0 : i32
      %dma_wait3A_67 = tpu.memref_slice %arg12[%run_scoped3A_27, %dma_wait3A, %dma_wait3A_66] : memref<2x80x128xf32, #tpu.memory_space<vmem>> -> memref<1x80x128xf32, #tpu.memory_space<vmem>>
      %dma_wait3A_68 = tpu.memref_squeeze %dma_wait3A_67 : memref<1x80x128xf32, #tpu.memory_space<vmem>> -> memref<80x128xf32, #tpu.memory_space<vmem>>
      %dma_wait3A_69 = arith.constant 0 : i32
      %dma_wait3A_70 = tpu.memref_slice %arg8[%add3A_26, %dma_wait3A_69] : memref<10240x128xf32, #tpu.memory_space<vmem_shared>> -> memref<80x128xf32, #tpu.memory_space<vmem_shared>>
      %dma_wait3A_71 = arith.constant 0 : i32
      %dma_wait3A_72 = tpu.memref_slice %arg8[%add3A_26, %dma_wait3A_71] : memref<10240x128xf32, #tpu.memory_space<vmem_shared>> -> memref<80x128xf32, #tpu.memory_space<vmem_shared>>
      %dma_wait3A_73 = arith.constant 0 : i32
      %dma_wait3A_74 = arith.constant 0 : i32
      %dma_wait3A_75 = tpu.memref_slice %arg12[%run_scoped3A_27, %dma_wait3A_73, %dma_wait3A_74] : memref<2x80x128xf32, #tpu.memory_space<vmem>> -> memref<1x80x128xf32, #tpu.memory_space<vmem>>
      %dma_wait3A_76 = tpu.memref_squeeze %dma_wait3A_75 : memref<1x80x128xf32, #tpu.memory_space<vmem>> -> memref<80x128xf32, #tpu.memory_space<vmem>>
      tpu.wait_dma2 semaphore(%run_scoped3A_54 : memref<!tpu.dma_semaphore, #tpu.memory_space<semaphore_mem>>) src(%dma_wait3A_76 : memref<80x128xf32, #tpu.memory_space<vmem>>) dst(%dma_wait3A_72 : memref<80x128xf32, #tpu.memory_space<vmem_shared>>)
      tpu.yield
    }) : () -> ()
    %run_scoped3A_28 = arith.constant 0 : i32
    "tpu.region"() ({
      %run_scoped3A_54 = tpu.sem_alloc : memref<!tpu.dma_semaphore, #tpu.memory_space<semaphore_mem>>
      %dma_start3A = arith.constant 0 : i32
      %dma_start3A_55 = arith.constant 0 : i32
      %dma_start3A_56 = tpu.memref_slice %arg13[%run_scoped3A_28, %dma_start3A, %dma_start3A_55] : memref<2x80x24xf32, #tpu.memory_space<vmem>> -> memref<1x80x24xf32, #tpu.memory_space<vmem>>
      %dma_start3A_57 = tpu.memref_squeeze %dma_start3A_56 : memref<1x80x24xf32, #tpu.memory_space<vmem>> -> memref<80x24xf32, #tpu.memory_space<vmem>>
      %dma_start3A_58 = arith.constant 0 : i32
      %dma_start3A_59 = tpu.memref_slice %arg9[%add3A_26, %dma_start3A_58] : memref<10240x24xf32, #tpu.memory_space<vmem_shared>> -> memref<80x24xf32, #tpu.memory_space<vmem_shared>>
      %dma_start3A_60 = arith.constant 0 : i32
      %dma_start3A_61 = tpu.memref_slice %arg9[%add3A_26, %dma_start3A_60] : memref<10240x24xf32, #tpu.memory_space<vmem_shared>> -> memref<80x24xf32, #tpu.memory_space<vmem_shared>>
      %dma_start3A_62 = arith.constant 0 : i32
      %dma_start3A_63 = arith.constant 0 : i32
      %dma_start3A_64 = tpu.memref_slice %arg13[%run_scoped3A_28, %dma_start3A_62, %dma_start3A_63] : memref<2x80x24xf32, #tpu.memory_space<vmem>> -> memref<1x80x24xf32, #tpu.memory_space<vmem>>
      %dma_start3A_65 = tpu.memref_squeeze %dma_start3A_64 : memref<1x80x24xf32, #tpu.memory_space<vmem>> -> memref<80x24xf32, #tpu.memory_space<vmem>>
      tpu.enqueue_dma source(%dma_start3A_65 : memref<80x24xf32, #tpu.memory_space<vmem>>) target(%dma_start3A_61 : memref<80x24xf32, #tpu.memory_space<vmem_shared>>) target_semaphore(%run_scoped3A_54 : memref<!tpu.dma_semaphore, #tpu.memory_space<semaphore_mem>>)
      %dma_wait3A = arith.constant 0 : i32
      %dma_wait3A_66 = arith.constant 0 : i32
      %dma_wait3A_67 = tpu.memref_slice %arg13[%run_scoped3A_28, %dma_wait3A, %dma_wait3A_66] : memref<2x80x24xf32, #tpu.memory_space<vmem>> -> memref<1x80x24xf32, #tpu.memory_space<vmem>>
      %dma_wait3A_68 = tpu.memref_squeeze %dma_wait3A_67 : memref<1x80x24xf32, #tpu.memory_space<vmem>> -> memref<80x24xf32, #tpu.memory_space<vmem>>
      %dma_wait3A_69 = arith.constant 0 : i32
      %dma_wait3A_70 = tpu.memref_slice %arg9[%add3A_26, %dma_wait3A_69] : memref<10240x24xf32, #tpu.memory_space<vmem_shared>> -> memref<80x24xf32, #tpu.memory_space<vmem_shared>>
      %dma_wait3A_71 = arith.constant 0 : i32
      %dma_wait3A_72 = tpu.memref_slice %arg9[%add3A_26, %dma_wait3A_71] : memref<10240x24xf32, #tpu.memory_space<vmem_shared>> -> memref<80x24xf32, #tpu.memory_space<vmem_shared>>
      %dma_wait3A_73 = arith.constant 0 : i32
      %dma_wait3A_74 = arith.constant 0 : i32
      %dma_wait3A_75 = tpu.memref_slice %arg13[%run_scoped3A_28, %dma_wait3A_73, %dma_wait3A_74] : memref<2x80x24xf32, #tpu.memory_space<vmem>> -> memref<1x80x24xf32, #tpu.memory_space<vmem>>
      %dma_wait3A_76 = tpu.memref_squeeze %dma_wait3A_75 : memref<1x80x24xf32, #tpu.memory_space<vmem>> -> memref<80x24xf32, #tpu.memory_space<vmem>>
      tpu.wait_dma2 semaphore(%run_scoped3A_54 : memref<!tpu.dma_semaphore, #tpu.memory_space<semaphore_mem>>) src(%dma_wait3A_76 : memref<80x24xf32, #tpu.memory_space<vmem>>) dst(%dma_wait3A_72 : memref<80x24xf32, #tpu.memory_space<vmem_shared>>)
      tpu.yield
    }) : () -> ()
    %add3A_29 = arith.constant 400 : i32
    %add3A_30 = arith.addi %mul3A_2, %add3A_29 : i32
    %run_scoped3A_31 = arith.constant 0 : i32
    "tpu.region"() ({
      %run_scoped3A_54 = tpu.sem_alloc : memref<!tpu.dma_semaphore, #tpu.memory_space<semaphore_mem>>
      %dma_start3A = arith.constant 0 : i32
      %dma_start3A_55 = arith.constant 0 : i32
      %dma_start3A_56 = tpu.memref_slice %arg12[%run_scoped3A_31, %dma_start3A, %dma_start3A_55] : memref<2x80x128xf32, #tpu.memory_space<vmem>> -> memref<1x80x128xf32, #tpu.memory_space<vmem>>
      %dma_start3A_57 = tpu.memref_squeeze %dma_start3A_56 : memref<1x80x128xf32, #tpu.memory_space<vmem>> -> memref<80x128xf32, #tpu.memory_space<vmem>>
      %dma_start3A_58 = arith.constant 0 : i32
      %dma_start3A_59 = tpu.memref_slice %arg8[%add3A_30, %dma_start3A_58] : memref<10240x128xf32, #tpu.memory_space<vmem_shared>> -> memref<80x128xf32, #tpu.memory_space<vmem_shared>>
      %dma_start3A_60 = arith.constant 0 : i32
      %dma_start3A_61 = tpu.memref_slice %arg8[%add3A_30, %dma_start3A_60] : memref<10240x128xf32, #tpu.memory_space<vmem_shared>> -> memref<80x128xf32, #tpu.memory_space<vmem_shared>>
      %dma_start3A_62 = arith.constant 0 : i32
      %dma_start3A_63 = arith.constant 0 : i32
      %dma_start3A_64 = tpu.memref_slice %arg12[%run_scoped3A_31, %dma_start3A_62, %dma_start3A_63] : memref<2x80x128xf32, #tpu.memory_space<vmem>> -> memref<1x80x128xf32, #tpu.memory_space<vmem>>
      %dma_start3A_65 = tpu.memref_squeeze %dma_start3A_64 : memref<1x80x128xf32, #tpu.memory_space<vmem>> -> memref<80x128xf32, #tpu.memory_space<vmem>>
      tpu.enqueue_dma source(%dma_start3A_65 : memref<80x128xf32, #tpu.memory_space<vmem>>) target(%dma_start3A_61 : memref<80x128xf32, #tpu.memory_space<vmem_shared>>) target_semaphore(%run_scoped3A_54 : memref<!tpu.dma_semaphore, #tpu.memory_space<semaphore_mem>>)
      %dma_wait3A = arith.constant 0 : i32
      %dma_wait3A_66 = arith.constant 0 : i32
      %dma_wait3A_67 = tpu.memref_slice %arg12[%run_scoped3A_31, %dma_wait3A, %dma_wait3A_66] : memref<2x80x128xf32, #tpu.memory_space<vmem>> -> memref<1x80x128xf32, #tpu.memory_space<vmem>>
      %dma_wait3A_68 = tpu.memref_squeeze %dma_wait3A_67 : memref<1x80x128xf32, #tpu.memory_space<vmem>> -> memref<80x128xf32, #tpu.memory_space<vmem>>
      %dma_wait3A_69 = arith.constant 0 : i32
      %dma_wait3A_70 = tpu.memref_slice %arg8[%add3A_30, %dma_wait3A_69] : memref<10240x128xf32, #tpu.memory_space<vmem_shared>> -> memref<80x128xf32, #tpu.memory_space<vmem_shared>>
      %dma_wait3A_71 = arith.constant 0 : i32
      %dma_wait3A_72 = tpu.memref_slice %arg8[%add3A_30, %dma_wait3A_71] : memref<10240x128xf32, #tpu.memory_space<vmem_shared>> -> memref<80x128xf32, #tpu.memory_space<vmem_shared>>
      %dma_wait3A_73 = arith.constant 0 : i32
      %dma_wait3A_74 = arith.constant 0 : i32
      %dma_wait3A_75 = tpu.memref_slice %arg12[%run_scoped3A_31, %dma_wait3A_73, %dma_wait3A_74] : memref<2x80x128xf32, #tpu.memory_space<vmem>> -> memref<1x80x128xf32, #tpu.memory_space<vmem>>
      %dma_wait3A_76 = tpu.memref_squeeze %dma_wait3A_75 : memref<1x80x128xf32, #tpu.memory_space<vmem>> -> memref<80x128xf32, #tpu.memory_space<vmem>>
      tpu.wait_dma2 semaphore(%run_scoped3A_54 : memref<!tpu.dma_semaphore, #tpu.memory_space<semaphore_mem>>) src(%dma_wait3A_76 : memref<80x128xf32, #tpu.memory_space<vmem>>) dst(%dma_wait3A_72 : memref<80x128xf32, #tpu.memory_space<vmem_shared>>)
      tpu.yield
    }) : () -> ()
    %run_scoped3A_32 = arith.constant 0 : i32
    "tpu.region"() ({
      %run_scoped3A_54 = tpu.sem_alloc : memref<!tpu.dma_semaphore, #tpu.memory_space<semaphore_mem>>
      %dma_start3A = arith.constant 0 : i32
      %dma_start3A_55 = arith.constant 0 : i32
      %dma_start3A_56 = tpu.memref_slice %arg13[%run_scoped3A_32, %dma_start3A, %dma_start3A_55] : memref<2x80x24xf32, #tpu.memory_space<vmem>> -> memref<1x80x24xf32, #tpu.memory_space<vmem>>
      %dma_start3A_57 = tpu.memref_squeeze %dma_start3A_56 : memref<1x80x24xf32, #tpu.memory_space<vmem>> -> memref<80x24xf32, #tpu.memory_space<vmem>>
      %dma_start3A_58 = arith.constant 0 : i32
      %dma_start3A_59 = tpu.memref_slice %arg9[%add3A_30, %dma_start3A_58] : memref<10240x24xf32, #tpu.memory_space<vmem_shared>> -> memref<80x24xf32, #tpu.memory_space<vmem_shared>>
      %dma_start3A_60 = arith.constant 0 : i32
      %dma_start3A_61 = tpu.memref_slice %arg9[%add3A_30, %dma_start3A_60] : memref<10240x24xf32, #tpu.memory_space<vmem_shared>> -> memref<80x24xf32, #tpu.memory_space<vmem_shared>>
      %dma_start3A_62 = arith.constant 0 : i32
      %dma_start3A_63 = arith.constant 0 : i32
      %dma_start3A_64 = tpu.memref_slice %arg13[%run_scoped3A_32, %dma_start3A_62, %dma_start3A_63] : memref<2x80x24xf32, #tpu.memory_space<vmem>> -> memref<1x80x24xf32, #tpu.memory_space<vmem>>
      %dma_start3A_65 = tpu.memref_squeeze %dma_start3A_64 : memref<1x80x24xf32, #tpu.memory_space<vmem>> -> memref<80x24xf32, #tpu.memory_space<vmem>>
      tpu.enqueue_dma source(%dma_start3A_65 : memref<80x24xf32, #tpu.memory_space<vmem>>) target(%dma_start3A_61 : memref<80x24xf32, #tpu.memory_space<vmem_shared>>) target_semaphore(%run_scoped3A_54 : memref<!tpu.dma_semaphore, #tpu.memory_space<semaphore_mem>>)
      %dma_wait3A = arith.constant 0 : i32
      %dma_wait3A_66 = arith.constant 0 : i32
      %dma_wait3A_67 = tpu.memref_slice %arg13[%run_scoped3A_32, %dma_wait3A, %dma_wait3A_66] : memref<2x80x24xf32, #tpu.memory_space<vmem>> -> memref<1x80x24xf32, #tpu.memory_space<vmem>>
      %dma_wait3A_68 = tpu.memref_squeeze %dma_wait3A_67 : memref<1x80x24xf32, #tpu.memory_space<vmem>> -> memref<80x24xf32, #tpu.memory_space<vmem>>
      %dma_wait3A_69 = arith.constant 0 : i32
      %dma_wait3A_70 = tpu.memref_slice %arg9[%add3A_30, %dma_wait3A_69] : memref<10240x24xf32, #tpu.memory_space<vmem_shared>> -> memref<80x24xf32, #tpu.memory_space<vmem_shared>>
      %dma_wait3A_71 = arith.constant 0 : i32
      %dma_wait3A_72 = tpu.memref_slice %arg9[%add3A_30, %dma_wait3A_71] : memref<10240x24xf32, #tpu.memory_space<vmem_shared>> -> memref<80x24xf32, #tpu.memory_space<vmem_shared>>
      %dma_wait3A_73 = arith.constant 0 : i32
      %dma_wait3A_74 = arith.constant 0 : i32
      %dma_wait3A_75 = tpu.memref_slice %arg13[%run_scoped3A_32, %dma_wait3A_73, %dma_wait3A_74] : memref<2x80x24xf32, #tpu.memory_space<vmem>> -> memref<1x80x24xf32, #tpu.memory_space<vmem>>
      %dma_wait3A_76 = tpu.memref_squeeze %dma_wait3A_75 : memref<1x80x24xf32, #tpu.memory_space<vmem>> -> memref<80x24xf32, #tpu.memory_space<vmem>>
      tpu.wait_dma2 semaphore(%run_scoped3A_54 : memref<!tpu.dma_semaphore, #tpu.memory_space<semaphore_mem>>) src(%dma_wait3A_76 : memref<80x24xf32, #tpu.memory_space<vmem>>) dst(%dma_wait3A_72 : memref<80x24xf32, #tpu.memory_space<vmem_shared>>)
      tpu.yield
    }) : () -> ()
    %add3A_33 = arith.constant 480 : i32
    %add3A_34 = arith.addi %mul3A_2, %add3A_33 : i32
    %run_scoped3A_35 = arith.constant 0 : i32
    "tpu.region"() ({
      %run_scoped3A_54 = tpu.sem_alloc : memref<!tpu.dma_semaphore, #tpu.memory_space<semaphore_mem>>
      %dma_start3A = arith.constant 0 : i32
      %dma_start3A_55 = arith.constant 0 : i32
      %dma_start3A_56 = tpu.memref_slice %arg12[%run_scoped3A_35, %dma_start3A, %dma_start3A_55] : memref<2x80x128xf32, #tpu.memory_space<vmem>> -> memref<1x80x128xf32, #tpu.memory_space<vmem>>
      %dma_start3A_57 = tpu.memref_squeeze %dma_start3A_56 : memref<1x80x128xf32, #tpu.memory_space<vmem>> -> memref<80x128xf32, #tpu.memory_space<vmem>>
      %dma_start3A_58 = arith.constant 0 : i32
      %dma_start3A_59 = tpu.memref_slice %arg8[%add3A_34, %dma_start3A_58] : memref<10240x128xf32, #tpu.memory_space<vmem_shared>> -> memref<80x128xf32, #tpu.memory_space<vmem_shared>>
      %dma_start3A_60 = arith.constant 0 : i32
      %dma_start3A_61 = tpu.memref_slice %arg8[%add3A_34, %dma_start3A_60] : memref<10240x128xf32, #tpu.memory_space<vmem_shared>> -> memref<80x128xf32, #tpu.memory_space<vmem_shared>>
      %dma_start3A_62 = arith.constant 0 : i32
      %dma_start3A_63 = arith.constant 0 : i32
      %dma_start3A_64 = tpu.memref_slice %arg12[%run_scoped3A_35, %dma_start3A_62, %dma_start3A_63] : memref<2x80x128xf32, #tpu.memory_space<vmem>> -> memref<1x80x128xf32, #tpu.memory_space<vmem>>
      %dma_start3A_65 = tpu.memref_squeeze %dma_start3A_64 : memref<1x80x128xf32, #tpu.memory_space<vmem>> -> memref<80x128xf32, #tpu.memory_space<vmem>>
      tpu.enqueue_dma source(%dma_start3A_65 : memref<80x128xf32, #tpu.memory_space<vmem>>) target(%dma_start3A_61 : memref<80x128xf32, #tpu.memory_space<vmem_shared>>) target_semaphore(%run_scoped3A_54 : memref<!tpu.dma_semaphore, #tpu.memory_space<semaphore_mem>>)
      %dma_wait3A = arith.constant 0 : i32
      %dma_wait3A_66 = arith.constant 0 : i32
      %dma_wait3A_67 = tpu.memref_slice %arg12[%run_scoped3A_35, %dma_wait3A, %dma_wait3A_66] : memref<2x80x128xf32, #tpu.memory_space<vmem>> -> memref<1x80x128xf32, #tpu.memory_space<vmem>>
      %dma_wait3A_68 = tpu.memref_squeeze %dma_wait3A_67 : memref<1x80x128xf32, #tpu.memory_space<vmem>> -> memref<80x128xf32, #tpu.memory_space<vmem>>
      %dma_wait3A_69 = arith.constant 0 : i32
      %dma_wait3A_70 = tpu.memref_slice %arg8[%add3A_34, %dma_wait3A_69] : memref<10240x128xf32, #tpu.memory_space<vmem_shared>> -> memref<80x128xf32, #tpu.memory_space<vmem_shared>>
      %dma_wait3A_71 = arith.constant 0 : i32
      %dma_wait3A_72 = tpu.memref_slice %arg8[%add3A_34, %dma_wait3A_71] : memref<10240x128xf32, #tpu.memory_space<vmem_shared>> -> memref<80x128xf32, #tpu.memory_space<vmem_shared>>
      %dma_wait3A_73 = arith.constant 0 : i32
      %dma_wait3A_74 = arith.constant 0 : i32
      %dma_wait3A_75 = tpu.memref_slice %arg12[%run_scoped3A_35, %dma_wait3A_73, %dma_wait3A_74] : memref<2x80x128xf32, #tpu.memory_space<vmem>> -> memref<1x80x128xf32, #tpu.memory_space<vmem>>
      %dma_wait3A_76 = tpu.memref_squeeze %dma_wait3A_75 : memref<1x80x128xf32, #tpu.memory_space<vmem>> -> memref<80x128xf32, #tpu.memory_space<vmem>>
      tpu.wait_dma2 semaphore(%run_scoped3A_54 : memref<!tpu.dma_semaphore, #tpu.memory_space<semaphore_mem>>) src(%dma_wait3A_76 : memref<80x128xf32, #tpu.memory_space<vmem>>) dst(%dma_wait3A_72 : memref<80x128xf32, #tpu.memory_space<vmem_shared>>)
      tpu.yield
    }) : () -> ()
    %run_scoped3A_36 = arith.constant 0 : i32
    "tpu.region"() ({
      %run_scoped3A_54 = tpu.sem_alloc : memref<!tpu.dma_semaphore, #tpu.memory_space<semaphore_mem>>
      %dma_start3A = arith.constant 0 : i32
      %dma_start3A_55 = arith.constant 0 : i32
      %dma_start3A_56 = tpu.memref_slice %arg13[%run_scoped3A_36, %dma_start3A, %dma_start3A_55] : memref<2x80x24xf32, #tpu.memory_space<vmem>> -> memref<1x80x24xf32, #tpu.memory_space<vmem>>
      %dma_start3A_57 = tpu.memref_squeeze %dma_start3A_56 : memref<1x80x24xf32, #tpu.memory_space<vmem>> -> memref<80x24xf32, #tpu.memory_space<vmem>>
      %dma_start3A_58 = arith.constant 0 : i32
      %dma_start3A_59 = tpu.memref_slice %arg9[%add3A_34, %dma_start3A_58] : memref<10240x24xf32, #tpu.memory_space<vmem_shared>> -> memref<80x24xf32, #tpu.memory_space<vmem_shared>>
      %dma_start3A_60 = arith.constant 0 : i32
      %dma_start3A_61 = tpu.memref_slice %arg9[%add3A_34, %dma_start3A_60] : memref<10240x24xf32, #tpu.memory_space<vmem_shared>> -> memref<80x24xf32, #tpu.memory_space<vmem_shared>>
      %dma_start3A_62 = arith.constant 0 : i32
      %dma_start3A_63 = arith.constant 0 : i32
      %dma_start3A_64 = tpu.memref_slice %arg13[%run_scoped3A_36, %dma_start3A_62, %dma_start3A_63] : memref<2x80x24xf32, #tpu.memory_space<vmem>> -> memref<1x80x24xf32, #tpu.memory_space<vmem>>
      %dma_start3A_65 = tpu.memref_squeeze %dma_start3A_64 : memref<1x80x24xf32, #tpu.memory_space<vmem>> -> memref<80x24xf32, #tpu.memory_space<vmem>>
      tpu.enqueue_dma source(%dma_start3A_65 : memref<80x24xf32, #tpu.memory_space<vmem>>) target(%dma_start3A_61 : memref<80x24xf32, #tpu.memory_space<vmem_shared>>) target_semaphore(%run_scoped3A_54 : memref<!tpu.dma_semaphore, #tpu.memory_space<semaphore_mem>>)
      %dma_wait3A = arith.constant 0 : i32
      %dma_wait3A_66 = arith.constant 0 : i32
      %dma_wait3A_67 = tpu.memref_slice %arg13[%run_scoped3A_36, %dma_wait3A, %dma_wait3A_66] : memref<2x80x24xf32, #tpu.memory_space<vmem>> -> memref<1x80x24xf32, #tpu.memory_space<vmem>>
      %dma_wait3A_68 = tpu.memref_squeeze %dma_wait3A_67 : memref<1x80x24xf32, #tpu.memory_space<vmem>> -> memref<80x24xf32, #tpu.memory_space<vmem>>
      %dma_wait3A_69 = arith.constant 0 : i32
      %dma_wait3A_70 = tpu.memref_slice %arg9[%add3A_34, %dma_wait3A_69] : memref<10240x24xf32, #tpu.memory_space<vmem_shared>> -> memref<80x24xf32, #tpu.memory_space<vmem_shared>>
      %dma_wait3A_71 = arith.constant 0 : i32
      %dma_wait3A_72 = tpu.memref_slice %arg9[%add3A_34, %dma_wait3A_71] : memref<10240x24xf32, #tpu.memory_space<vmem_shared>> -> memref<80x24xf32, #tpu.memory_space<vmem_shared>>
      %dma_wait3A_73 = arith.constant 0 : i32
      %dma_wait3A_74 = arith.constant 0 : i32
      %dma_wait3A_75 = tpu.memref_slice %arg13[%run_scoped3A_36, %dma_wait3A_73, %dma_wait3A_74] : memref<2x80x24xf32, #tpu.memory_space<vmem>> -> memref<1x80x24xf32, #tpu.memory_space<vmem>>
      %dma_wait3A_76 = tpu.memref_squeeze %dma_wait3A_75 : memref<1x80x24xf32, #tpu.memory_space<vmem>> -> memref<80x24xf32, #tpu.memory_space<vmem>>
      tpu.wait_dma2 semaphore(%run_scoped3A_54 : memref<!tpu.dma_semaphore, #tpu.memory_space<semaphore_mem>>) src(%dma_wait3A_76 : memref<80x24xf32, #tpu.memory_space<vmem>>) dst(%dma_wait3A_72 : memref<80x24xf32, #tpu.memory_space<vmem_shared>>)
      tpu.yield
    }) : () -> ()
    %add3A_37 = arith.constant 560 : i32
    %add3A_38 = arith.addi %mul3A_2, %add3A_37 : i32
    %run_scoped3A_39 = arith.constant 0 : i32
    "tpu.region"() ({
      %run_scoped3A_54 = tpu.sem_alloc : memref<!tpu.dma_semaphore, #tpu.memory_space<semaphore_mem>>
      %dma_start3A = arith.constant 0 : i32
      %dma_start3A_55 = arith.constant 0 : i32
      %dma_start3A_56 = tpu.memref_slice %arg12[%run_scoped3A_39, %dma_start3A, %dma_start3A_55] : memref<2x80x128xf32, #tpu.memory_space<vmem>> -> memref<1x80x128xf32, #tpu.memory_space<vmem>>
      %dma_start3A_57 = tpu.memref_squeeze %dma_start3A_56 : memref<1x80x128xf32, #tpu.memory_space<vmem>> -> memref<80x128xf32, #tpu.memory_space<vmem>>
      %dma_start3A_58 = arith.constant 0 : i32
      %dma_start3A_59 = tpu.memref_slice %arg8[%add3A_38, %dma_start3A_58] : memref<10240x128xf32, #tpu.memory_space<vmem_shared>> -> memref<80x128xf32, #tpu.memory_space<vmem_shared>>
      %dma_start3A_60 = arith.constant 0 : i32
      %dma_start3A_61 = tpu.memref_slice %arg8[%add3A_38, %dma_start3A_60] : memref<10240x128xf32, #tpu.memory_space<vmem_shared>> -> memref<80x128xf32, #tpu.memory_space<vmem_shared>>
      %dma_start3A_62 = arith.constant 0 : i32
      %dma_start3A_63 = arith.constant 0 : i32
      %dma_start3A_64 = tpu.memref_slice %arg12[%run_scoped3A_39, %dma_start3A_62, %dma_start3A_63] : memref<2x80x128xf32, #tpu.memory_space<vmem>> -> memref<1x80x128xf32, #tpu.memory_space<vmem>>
      %dma_start3A_65 = tpu.memref_squeeze %dma_start3A_64 : memref<1x80x128xf32, #tpu.memory_space<vmem>> -> memref<80x128xf32, #tpu.memory_space<vmem>>
      tpu.enqueue_dma source(%dma_start3A_65 : memref<80x128xf32, #tpu.memory_space<vmem>>) target(%dma_start3A_61 : memref<80x128xf32, #tpu.memory_space<vmem_shared>>) target_semaphore(%run_scoped3A_54 : memref<!tpu.dma_semaphore, #tpu.memory_space<semaphore_mem>>)
      %dma_wait3A = arith.constant 0 : i32
      %dma_wait3A_66 = arith.constant 0 : i32
      %dma_wait3A_67 = tpu.memref_slice %arg12[%run_scoped3A_39, %dma_wait3A, %dma_wait3A_66] : memref<2x80x128xf32, #tpu.memory_space<vmem>> -> memref<1x80x128xf32, #tpu.memory_space<vmem>>
      %dma_wait3A_68 = tpu.memref_squeeze %dma_wait3A_67 : memref<1x80x128xf32, #tpu.memory_space<vmem>> -> memref<80x128xf32, #tpu.memory_space<vmem>>
      %dma_wait3A_69 = arith.constant 0 : i32
      %dma_wait3A_70 = tpu.memref_slice %arg8[%add3A_38, %dma_wait3A_69] : memref<10240x128xf32, #tpu.memory_space<vmem_shared>> -> memref<80x128xf32, #tpu.memory_space<vmem_shared>>
      %dma_wait3A_71 = arith.constant 0 : i32
      %dma_wait3A_72 = tpu.memref_slice %arg8[%add3A_38, %dma_wait3A_71] : memref<10240x128xf32, #tpu.memory_space<vmem_shared>> -> memref<80x128xf32, #tpu.memory_space<vmem_shared>>
      %dma_wait3A_73 = arith.constant 0 : i32
      %dma_wait3A_74 = arith.constant 0 : i32
      %dma_wait3A_75 = tpu.memref_slice %arg12[%run_scoped3A_39, %dma_wait3A_73, %dma_wait3A_74] : memref<2x80x128xf32, #tpu.memory_space<vmem>> -> memref<1x80x128xf32, #tpu.memory_space<vmem>>
      %dma_wait3A_76 = tpu.memref_squeeze %dma_wait3A_75 : memref<1x80x128xf32, #tpu.memory_space<vmem>> -> memref<80x128xf32, #tpu.memory_space<vmem>>
      tpu.wait_dma2 semaphore(%run_scoped3A_54 : memref<!tpu.dma_semaphore, #tpu.memory_space<semaphore_mem>>) src(%dma_wait3A_76 : memref<80x128xf32, #tpu.memory_space<vmem>>) dst(%dma_wait3A_72 : memref<80x128xf32, #tpu.memory_space<vmem_shared>>)
      tpu.yield
    }) : () -> ()
    %run_scoped3A_40 = arith.constant 0 : i32
    "tpu.region"() ({
      %run_scoped3A_54 = tpu.sem_alloc : memref<!tpu.dma_semaphore, #tpu.memory_space<semaphore_mem>>
      %dma_start3A = arith.constant 0 : i32
      %dma_start3A_55 = arith.constant 0 : i32
      %dma_start3A_56 = tpu.memref_slice %arg13[%run_scoped3A_40, %dma_start3A, %dma_start3A_55] : memref<2x80x24xf32, #tpu.memory_space<vmem>> -> memref<1x80x24xf32, #tpu.memory_space<vmem>>
      %dma_start3A_57 = tpu.memref_squeeze %dma_start3A_56 : memref<1x80x24xf32, #tpu.memory_space<vmem>> -> memref<80x24xf32, #tpu.memory_space<vmem>>
      %dma_start3A_58 = arith.constant 0 : i32
      %dma_start3A_59 = tpu.memref_slice %arg9[%add3A_38, %dma_start3A_58] : memref<10240x24xf32, #tpu.memory_space<vmem_shared>> -> memref<80x24xf32, #tpu.memory_space<vmem_shared>>
      %dma_start3A_60 = arith.constant 0 : i32
      %dma_start3A_61 = tpu.memref_slice %arg9[%add3A_38, %dma_start3A_60] : memref<10240x24xf32, #tpu.memory_space<vmem_shared>> -> memref<80x24xf32, #tpu.memory_space<vmem_shared>>
      %dma_start3A_62 = arith.constant 0 : i32
      %dma_start3A_63 = arith.constant 0 : i32
      %dma_start3A_64 = tpu.memref_slice %arg13[%run_scoped3A_40, %dma_start3A_62, %dma_start3A_63] : memref<2x80x24xf32, #tpu.memory_space<vmem>> -> memref<1x80x24xf32, #tpu.memory_space<vmem>>
      %dma_start3A_65 = tpu.memref_squeeze %dma_start3A_64 : memref<1x80x24xf32, #tpu.memory_space<vmem>> -> memref<80x24xf32, #tpu.memory_space<vmem>>
      tpu.enqueue_dma source(%dma_start3A_65 : memref<80x24xf32, #tpu.memory_space<vmem>>) target(%dma_start3A_61 : memref<80x24xf32, #tpu.memory_space<vmem_shared>>) target_semaphore(%run_scoped3A_54 : memref<!tpu.dma_semaphore, #tpu.memory_space<semaphore_mem>>)
      %dma_wait3A = arith.constant 0 : i32
      %dma_wait3A_66 = arith.constant 0 : i32
      %dma_wait3A_67 = tpu.memref_slice %arg13[%run_scoped3A_40, %dma_wait3A, %dma_wait3A_66] : memref<2x80x24xf32, #tpu.memory_space<vmem>> -> memref<1x80x24xf32, #tpu.memory_space<vmem>>
      %dma_wait3A_68 = tpu.memref_squeeze %dma_wait3A_67 : memref<1x80x24xf32, #tpu.memory_space<vmem>> -> memref<80x24xf32, #tpu.memory_space<vmem>>
      %dma_wait3A_69 = arith.constant 0 : i32
      %dma_wait3A_70 = tpu.memref_slice %arg9[%add3A_38, %dma_wait3A_69] : memref<10240x24xf32, #tpu.memory_space<vmem_shared>> -> memref<80x24xf32, #tpu.memory_space<vmem_shared>>
      %dma_wait3A_71 = arith.constant 0 : i32
      %dma_wait3A_72 = tpu.memref_slice %arg9[%add3A_38, %dma_wait3A_71] : memref<10240x24xf32, #tpu.memory_space<vmem_shared>> -> memref<80x24xf32, #tpu.memory_space<vmem_shared>>
      %dma_wait3A_73 = arith.constant 0 : i32
      %dma_wait3A_74 = arith.constant 0 : i32
      %dma_wait3A_75 = tpu.memref_slice %arg13[%run_scoped3A_40, %dma_wait3A_73, %dma_wait3A_74] : memref<2x80x24xf32, #tpu.memory_space<vmem>> -> memref<1x80x24xf32, #tpu.memory_space<vmem>>
      %dma_wait3A_76 = tpu.memref_squeeze %dma_wait3A_75 : memref<1x80x24xf32, #tpu.memory_space<vmem>> -> memref<80x24xf32, #tpu.memory_space<vmem>>
      tpu.wait_dma2 semaphore(%run_scoped3A_54 : memref<!tpu.dma_semaphore, #tpu.memory_space<semaphore_mem>>) src(%dma_wait3A_76 : memref<80x24xf32, #tpu.memory_space<vmem>>) dst(%dma_wait3A_72 : memref<80x24xf32, #tpu.memory_space<vmem_shared>>)
      tpu.yield
    }) : () -> ()
    %scan3A_41 = arith.constant 0 : i32
    %scan3A_42 = arith.constant 0 : i32
    %scan3A_43 = arith.constant 80 : i32
    %scan3A_44 = arith.addi %scan3A_42, %scan3A_43 : i32
    %scan3A_45 = arith.constant 1 : i32
    scf.for %scan3A_54 = %scan3A_42 to %scan3A_44 step %scan3A_45  : i32 {
      %broadcast_in_dim3A = arith.constant 1.000000e+00 : f32
      %broadcast_in_dim3A_55 = vector.broadcast %broadcast_in_dim3A : f32 to vector<16xf32>
      %swap3A = arith.constant 0 : i32
      %swap3A_56 = arith.index_cast %swap3A : i32 to index
      %swap3A_57 = arith.index_cast %scan3A_54 : i32 to index
      %swap3A_58 = arith.constant 8 : index
      %swap3A_59 = tpu.vector_load %arg13[%swap3A_56, %swap3A_57, %swap3A_58] {strides = array<i32>} : memref<2x80x24xf32, #tpu.memory_space<vmem>>, vector<1x1x16xf32>,
      %swap3A_60 = vector.shape_cast %swap3A_59 : vector<1x1x16xf32> to vector<16xf32>
      %swap3A_61 = vector.shape_cast %broadcast_in_dim3A_55 : vector<16xf32> to vector<1x1x16xf32>
      tpu.vector_store %arg13[%swap3A_56, %swap3A_57, %swap3A_58], %swap3A_61 {strides = array<i32>} : memref<2x80x24xf32, #tpu.memory_space<vmem>>, vector<1x1x16xf32>,
      %broadcast_in_dim3A_62 = arith.constant 1.000000e+00 : f32
      %broadcast_in_dim3A_63 = vector.broadcast %broadcast_in_dim3A_62 : f32 to vector<16xf32>
      %swap3A_64 = arith.constant 1 : i32
      %swap3A_65 = arith.index_cast %swap3A_64 : i32 to index
      %swap3A_66 = arith.index_cast %scan3A_54 : i32 to index
      %swap3A_67 = arith.constant 8 : index
      %swap3A_68 = tpu.vector_load %arg13[%swap3A_65, %swap3A_66, %swap3A_67] {strides = array<i32>} : memref<2x80x24xf32, #tpu.memory_space<vmem>>, vector<1x1x16xf32>,
      %swap3A_69 = vector.shape_cast %swap3A_68 : vector<1x1x16xf32> to vector<16xf32>
      %swap3A_70 = vector.shape_cast %broadcast_in_dim3A_63 : vector<16xf32> to vector<1x1x16xf32>
      tpu.vector_store %arg13[%swap3A_65, %swap3A_66, %swap3A_67], %swap3A_70 {strides = array<i32>} : memref<2x80x24xf32, #tpu.memory_space<vmem>>, vector<1x1x16xf32>,
    }
    %scan3A_46 = arith.constant 80 : i32
    %barrier3A = arith.constant 0 : index
    tpu.barrier barrier_id(%barrier3A)
    %scan3A_47 = arith.constant 0 : i32
    %scan3A_48 = arith.constant 0 : i32
    %scan3A_49 = arith.constant 5 : i32
    %scan3A_50 = arith.addi %scan3A_48, %scan3A_49 : i32
    %scan3A_51 = arith.constant 1 : i32
    scf.for %scan3A_54 = %scan3A_48 to %scan3A_50 step %scan3A_51  : i32 {
      %mul3A_55 = arith.constant 25 : i32
      %mul3A_56 = arith.muli %scan3A_54, %mul3A_55 : i32
      "tpu.region"() ({
        %run_scoped3A_126 = tpu.sem_alloc : memref<!tpu.dma_semaphore, #tpu.memory_space<semaphore_mem>>
        %dma_start3A_127 = arith.constant 0 : i32
        %dma_start3A_128 = tpu.memref_slice %arg4[%add3A, %mul3A_56, %dma_start3A_127] : memref<32x125x80xi32, #tpu.memory_space<hbm>> -> memref<1x25x80xi32, #tpu.memory_space<hbm>>
        %dma_start3A_129 = tpu.memref_squeeze %dma_start3A_128 : memref<1x25x80xi32, #tpu.memory_space<hbm>> -> memref<25x80xi32, #tpu.memory_space<hbm>>
        %dma_start3A_130 = arith.constant 0 : i32
        %dma_start3A_131 = tpu.memref_slice %arg4[%add3A, %mul3A_56, %dma_start3A_130] : memref<32x125x80xi32, #tpu.memory_space<hbm>> -> memref<1x25x80xi32, #tpu.memory_space<hbm>>
        %dma_start3A_132 = tpu.memref_squeeze %dma_start3A_131 : memref<1x25x80xi32, #tpu.memory_space<hbm>> -> memref<25x80xi32, #tpu.memory_space<hbm>>
        tpu.enqueue_dma source(%dma_start3A_132 : memref<25x80xi32, #tpu.memory_space<hbm>>) target(%arg10 : memref<25x80xi32, #tpu.memory_space<vmem>>) target_semaphore(%run_scoped3A_126 : memref<!tpu.dma_semaphore, #tpu.memory_space<semaphore_mem>>)
        %dma_wait3A_133 = arith.constant 0 : i32
        %dma_wait3A_134 = tpu.memref_slice %arg4[%add3A, %mul3A_56, %dma_wait3A_133] : memref<32x125x80xi32, #tpu.memory_space<hbm>> -> memref<1x25x80xi32, #tpu.memory_space<hbm>>
        %dma_wait3A_135 = tpu.memref_squeeze %dma_wait3A_134 : memref<1x25x80xi32, #tpu.memory_space<hbm>> -> memref<25x80xi32, #tpu.memory_space<hbm>>
        %dma_wait3A_136 = arith.constant 0 : i32
        %dma_wait3A_137 = tpu.memref_slice %arg4[%add3A, %mul3A_56, %dma_wait3A_136] : memref<32x125x80xi32, #tpu.memory_space<hbm>> -> memref<1x25x80xi32, #tpu.memory_space<hbm>>
        %dma_wait3A_138 = tpu.memref_squeeze %dma_wait3A_137 : memref<1x25x80xi32, #tpu.memory_space<hbm>> -> memref<25x80xi32, #tpu.memory_space<hbm>>
        tpu.wait_dma2 semaphore(%run_scoped3A_126 : memref<!tpu.dma_semaphore, #tpu.memory_space<semaphore_mem>>) src(%dma_wait3A_138 : memref<25x80xi32, #tpu.memory_space<hbm>>) dst(%arg10 : memref<25x80xi32, #tpu.memory_space<vmem>>)
        tpu.yield
      }) : () -> ()
      %mul3A_57 = arith.constant 25 : i32
      %mul3A_58 = arith.muli %scan3A_54, %mul3A_57 : i32
      "tpu.region"() ({
        %run_scoped3A_126 = tpu.sem_alloc : memref<!tpu.dma_semaphore, #tpu.memory_space<semaphore_mem>>
        %dma_start3A_127 = arith.constant 0 : i32
        %dma_start3A_128 = tpu.memref_slice %arg5[%add3A, %mul3A_58, %dma_start3A_127] : memref<32x125x80xi32, #tpu.memory_space<hbm>> -> memref<1x25x80xi32, #tpu.memory_space<hbm>>
        %dma_start3A_129 = tpu.memref_squeeze %dma_start3A_128 : memref<1x25x80xi32, #tpu.memory_space<hbm>> -> memref<25x80xi32, #tpu.memory_space<hbm>>
        %dma_start3A_130 = arith.constant 0 : i32
        %dma_start3A_131 = tpu.memref_slice %arg5[%add3A, %mul3A_58, %dma_start3A_130] : memref<32x125x80xi32, #tpu.memory_space<hbm>> -> memref<1x25x80xi32, #tpu.memory_space<hbm>>
        %dma_start3A_132 = tpu.memref_squeeze %dma_start3A_131 : memref<1x25x80xi32, #tpu.memory_space<hbm>> -> memref<25x80xi32, #tpu.memory_space<hbm>>
        tpu.enqueue_dma source(%dma_start3A_132 : memref<25x80xi32, #tpu.memory_space<hbm>>) target(%arg11 : memref<25x80xi32, #tpu.memory_space<vmem>>) target_semaphore(%run_scoped3A_126 : memref<!tpu.dma_semaphore, #tpu.memory_space<semaphore_mem>>)
        %dma_wait3A_133 = arith.constant 0 : i32
        %dma_wait3A_134 = tpu.memref_slice %arg5[%add3A, %mul3A_58, %dma_wait3A_133] : memref<32x125x80xi32, #tpu.memory_space<hbm>> -> memref<1x25x80xi32, #tpu.memory_space<hbm>>
        %dma_wait3A_135 = tpu.memref_squeeze %dma_wait3A_134 : memref<1x25x80xi32, #tpu.memory_space<hbm>> -> memref<25x80xi32, #tpu.memory_space<hbm>>
        %dma_wait3A_136 = arith.constant 0 : i32
        %dma_wait3A_137 = tpu.memref_slice %arg5[%add3A, %mul3A_58, %dma_wait3A_136] : memref<32x125x80xi32, #tpu.memory_space<hbm>> -> memref<1x25x80xi32, #tpu.memory_space<hbm>>
        %dma_wait3A_138 = tpu.memref_squeeze %dma_wait3A_137 : memref<1x25x80xi32, #tpu.memory_space<hbm>> -> memref<25x80xi32, #tpu.memory_space<hbm>>
        tpu.wait_dma2 semaphore(%run_scoped3A_126 : memref<!tpu.dma_semaphore, #tpu.memory_space<semaphore_mem>>) src(%dma_wait3A_138 : memref<25x80xi32, #tpu.memory_space<hbm>>) dst(%arg11 : memref<25x80xi32, #tpu.memory_space<vmem>>)
        tpu.yield
      }) : () -> ()
      %dma_start3A = arith.constant 0 : i32
      %dma_start3A_59 = arith.constant 0 : i32
      %dma_start3A_60 = arith.constant 0 : i32
      %dma_start3A_61 = arith.constant 0 : i32
      %dma_start3A_62 = tpu.memref_slice %arg12[%dma_start3A_59, %dma_start3A_60, %dma_start3A_61] : memref<2x80x128xf32, #tpu.memory_space<vmem>> -> memref<1x80x128xf32, #tpu.memory_space<vmem>>
      %dma_start3A_63 = tpu.memref_squeeze %dma_start3A_62 : memref<1x80x128xf32, #tpu.memory_space<vmem>> -> memref<80x128xf32, #tpu.memory_space<vmem>>
      %dma_start3A_64 = arith.constant 0 : i32
      %dma_start3A_65 = tpu.memref_slice %arg10[%dma_start3A, %dma_start3A_64] : memref<25x80xi32, #tpu.memory_space<vmem>> -> memref<1x80xi32, #tpu.memory_space<vmem>>
      %dma_start3A_66 = tpu.memref_squeeze %dma_start3A_65 : memref<1x80xi32, #tpu.memory_space<vmem>> -> memref<80xi32, #tpu.memory_space<vmem>>
      %dma_start3A_67 = arith.constant 0 : i32
      %dma_start3A_68 = arith.constant 0 : i32
      %dma_start3A_69 = tpu.memref_slice %arg2[%dma_start3A_67, %dma_start3A_68] : memref<10000x128xf32, #tpu.memory_space<hbm>> -> memref<10000x128xf32, #tpu.memory_space<hbm>>
      tpu.enqueue_indirect_dma source(%dma_start3A_69 : memref<10000x128xf32, #tpu.memory_space<hbm>>) target(%dma_start3A_63 : memref<80x128xf32, #tpu.memory_space<vmem>>) offsets(%dma_start3A_66 : memref<80xi32, #tpu.memory_space<vmem>>) semaphore(%arg14 : memref<!tpu.dma_semaphore, #tpu.memory_space<semaphore_mem>>)
      %mul3A_70 = arith.constant 25 : i32
      %mul3A_71 = arith.muli %scan3A_54, %mul3A_70 : i32
      %mul3A_72 = arith.constant 80 : i32
      %mul3A_73 = arith.muli %mul3A_71, %mul3A_72 : i32
      %add3A_74 = arith.addi %mul3A_4, %mul3A_73 : i32
      %dma_start3A_75 = arith.constant 0 : i32
      %dma_start3A_76 = arith.constant 0 : i32
      %dma_start3A_77 = arith.constant 0 : i32
      %dma_start3A_78 = tpu.memref_slice %arg13[%dma_start3A_75, %dma_start3A_76, %dma_start3A_77] : memref<2x80x24xf32, #tpu.memory_space<vmem>> -> memref<1x80x16xf32, #tpu.memory_space<vmem>>
      %dma_start3A_79 = tpu.memref_squeeze %dma_start3A_78 : memref<1x80x16xf32, #tpu.memory_space<vmem>> -> memref<80x16xf32, #tpu.memory_space<vmem>>
      %dma_start3A_80 = arith.constant 0 : i32
      %dma_start3A_81 = tpu.memref_slice %arg3[%add3A_74, %dma_start3A_80] : memref<320000x16xf32, #tpu.memory_space<hbm>> -> memref<80x16xf32, #tpu.memory_space<hbm>>
      %dma_start3A_82 = arith.constant 0 : i32
      %dma_start3A_83 = arith.constant 0 : i32
      %dma_start3A_84 = tpu.memref_slice %arg13[%dma_start3A_75, %dma_start3A_82, %dma_start3A_83] : memref<2x80x24xf32, #tpu.memory_space<vmem>> -> memref<1x80x16xf32, #tpu.memory_space<vmem>>
      %dma_start3A_85 = tpu.memref_squeeze %dma_start3A_84 : memref<1x80x16xf32, #tpu.memory_space<vmem>> -> memref<80x16xf32, #tpu.memory_space<vmem>>
      %dma_start3A_86 = arith.constant 0 : i32
      %dma_start3A_87 = tpu.memref_slice %arg3[%add3A_74, %dma_start3A_86] : memref<320000x16xf32, #tpu.memory_space<hbm>> -> memref<80x16xf32, #tpu.memory_space<hbm>>
      tpu.enqueue_dma source(%dma_start3A_87 : memref<80x16xf32, #tpu.memory_space<hbm>>) target(%dma_start3A_85 : memref<80x16xf32, #tpu.memory_space<vmem>>) target_semaphore(%arg15 : memref<!tpu.dma_semaphore, #tpu.memory_space<semaphore_mem>>)
      %scan3A_88 = arith.constant 0 : i32
      %scan3A_89 = arith.constant 0 : i32
      %scan3A_90 = arith.constant 25 : i32
      %scan3A_91 = arith.addi %scan3A_89, %scan3A_90 : i32
      %scan3A_92 = arith.constant 1 : i32
      scf.for %scan3A_126 = %scan3A_89 to %scan3A_91 step %scan3A_92  : i32 {
        %rem3A = arith.constant 2 : i32
        %rem3A_127 = arith.remsi %scan3A_126, %rem3A : i32
        %dma_wait3A_128 = arith.constant 0 : i32
        %dma_wait3A_129 = arith.constant 0 : i32
        %dma_wait3A_130 = tpu.memref_slice %arg12[%rem3A_127, %dma_wait3A_128, %dma_wait3A_129] : memref<2x80x128xf32, #tpu.memory_space<vmem>> -> memref<1x80x128xf32, #tpu.memory_space<vmem>>
        %dma_wait3A_131 = tpu.memref_squeeze %dma_wait3A_130 : memref<1x80x128xf32, #tpu.memory_space<vmem>> -> memref<80x128xf32, #tpu.memory_space<vmem>>
        %dma_wait3A_132 = arith.constant 0 : i32
        %dma_wait3A_133 = arith.constant 0 : i32
        %dma_wait3A_134 = tpu.memref_slice %arg2[%dma_wait3A_132, %dma_wait3A_133] : memref<10000x128xf32, #tpu.memory_space<hbm>> -> memref<80x128xf32, #tpu.memory_space<hbm>>
        %dma_wait3A_135 = arith.constant 0 : i32
        %dma_wait3A_136 = arith.constant 0 : i32
        %dma_wait3A_137 = tpu.memref_slice %arg12[%rem3A_127, %dma_wait3A_135, %dma_wait3A_136] : memref<2x80x128xf32, #tpu.memory_space<vmem>> -> memref<1x80x128xf32, #tpu.memory_space<vmem>>
        %dma_wait3A_138 = tpu.memref_squeeze %dma_wait3A_137 : memref<1x80x128xf32, #tpu.memory_space<vmem>> -> memref<80x128xf32, #tpu.memory_space<vmem>>
        %dma_wait3A_139 = arith.constant 0 : i32
        %dma_wait3A_140 = arith.constant 0 : i32
        %dma_wait3A_141 = tpu.memref_slice %arg2[%dma_wait3A_139, %dma_wait3A_140] : memref<10000x128xf32, #tpu.memory_space<hbm>> -> memref<80x128xf32, #tpu.memory_space<hbm>>
        tpu.wait_dma2 semaphore(%arg14 : memref<!tpu.dma_semaphore, #tpu.memory_space<semaphore_mem>>) src(%dma_wait3A_141 : memref<80x128xf32, #tpu.memory_space<hbm>>) dst(%dma_wait3A_138 : memref<80x128xf32, #tpu.memory_space<vmem>>)
        %dma_wait3A_142 = arith.constant 0 : i32
        %dma_wait3A_143 = arith.constant 0 : i32
        %dma_wait3A_144 = tpu.memref_slice %arg13[%rem3A_127, %dma_wait3A_142, %dma_wait3A_143] : memref<2x80x24xf32, #tpu.memory_space<vmem>> -> memref<1x80x16xf32, #tpu.memory_space<vmem>>
        %dma_wait3A_145 = tpu.memref_squeeze %dma_wait3A_144 : memref<1x80x16xf32, #tpu.memory_space<vmem>> -> memref<80x16xf32, #tpu.memory_space<vmem>>
        %dma_wait3A_146 = arith.constant 0 : i32
        %dma_wait3A_147 = arith.constant 0 : i32
        %dma_wait3A_148 = tpu.memref_slice %arg3[%dma_wait3A_146, %dma_wait3A_147] : memref<320000x16xf32, #tpu.memory_space<hbm>> -> memref<80x16xf32, #tpu.memory_space<hbm>>
        %dma_wait3A_149 = arith.constant 0 : i32
        %dma_wait3A_150 = arith.constant 0 : i32
        %dma_wait3A_151 = tpu.memref_slice %arg13[%rem3A_127, %dma_wait3A_149, %dma_wait3A_150] : memref<2x80x24xf32, #tpu.memory_space<vmem>> -> memref<1x80x16xf32, #tpu.memory_space<vmem>>
        %dma_wait3A_152 = tpu.memref_squeeze %dma_wait3A_151 : memref<1x80x16xf32, #tpu.memory_space<vmem>> -> memref<80x16xf32, #tpu.memory_space<vmem>>
        %dma_wait3A_153 = arith.constant 0 : i32
        %dma_wait3A_154 = arith.constant 0 : i32
        %dma_wait3A_155 = tpu.memref_slice %arg3[%dma_wait3A_153, %dma_wait3A_154] : memref<320000x16xf32, #tpu.memory_space<hbm>> -> memref<80x16xf32, #tpu.memory_space<hbm>>
        tpu.wait_dma2 semaphore(%arg15 : memref<!tpu.dma_semaphore, #tpu.memory_space<semaphore_mem>>) src(%dma_wait3A_155 : memref<80x16xf32, #tpu.memory_space<hbm>>) dst(%dma_wait3A_152 : memref<80x16xf32, #tpu.memory_space<vmem>>)
        %ge3A = arith.constant 1 : i32
        %ge3A_156 = arith.cmpi sge, %scan3A_126, %ge3A : i32
        %convert_element_type3A = arith.extui %ge3A_156 : i1 to i32
        %cond3A = arith.constant 0 : i32
        %cond3A_157 = arith.cmpi ne, %convert_element_type3A, %cond3A : i32
        scf.if %cond3A_157 {
          %sub3A = arith.constant 1 : i32
          %sub3A_184 = arith.subi %sub3A, %rem3A_127 : i32
          %dma_wait3A_185 = arith.constant 0 : i32
          %dma_wait3A_186 = arith.constant 0 : i32
          %dma_wait3A_187 = tpu.memref_slice %arg12[%sub3A_184, %dma_wait3A_185, %dma_wait3A_186] : memref<2x80x128xf32, #tpu.memory_space<vmem>> -> memref<1x80x128xf32, #tpu.memory_space<vmem>>
          %dma_wait3A_188 = tpu.memref_squeeze %dma_wait3A_187 : memref<1x80x128xf32, #tpu.memory_space<vmem>> -> memref<80x128xf32, #tpu.memory_space<vmem>>
          %dma_wait3A_189 = arith.constant 0 : i32
          %dma_wait3A_190 = arith.constant 0 : i32
          %dma_wait3A_191 = tpu.memref_slice %arg2[%dma_wait3A_189, %dma_wait3A_190] : memref<10000x128xf32, #tpu.memory_space<hbm>> -> memref<80x128xf32, #tpu.memory_space<hbm>>
          %dma_wait3A_192 = arith.constant 0 : i32
          %dma_wait3A_193 = arith.constant 0 : i32
          %dma_wait3A_194 = tpu.memref_slice %arg12[%sub3A_184, %dma_wait3A_192, %dma_wait3A_193] : memref<2x80x128xf32, #tpu.memory_space<vmem>> -> memref<1x80x128xf32, #tpu.memory_space<vmem>>
          %dma_wait3A_195 = tpu.memref_squeeze %dma_wait3A_194 : memref<1x80x128xf32, #tpu.memory_space<vmem>> -> memref<80x128xf32, #tpu.memory_space<vmem>>
          %dma_wait3A_196 = arith.constant 0 : i32
          %dma_wait3A_197 = arith.constant 0 : i32
          %dma_wait3A_198 = tpu.memref_slice %arg2[%dma_wait3A_196, %dma_wait3A_197] : memref<10000x128xf32, #tpu.memory_space<hbm>> -> memref<80x128xf32, #tpu.memory_space<hbm>>
          tpu.wait_dma2 semaphore(%arg16 : memref<!tpu.dma_semaphore, #tpu.memory_space<semaphore_mem>>) src(%dma_wait3A_198 : memref<80x128xf32, #tpu.memory_space<hbm>>) dst(%dma_wait3A_195 : memref<80x128xf32, #tpu.memory_space<vmem>>)
          %sub3A_199 = arith.constant 1 : i32
          %sub3A_200 = arith.subi %sub3A_199, %rem3A_127 : i32
          %dma_wait3A_201 = arith.constant 0 : i32
          %dma_wait3A_202 = arith.constant 0 : i32
          %dma_wait3A_203 = arith.constant 0 : i32
          %dma_wait3A_204 = tpu.memref_slice %arg13[%sub3A_200, %dma_wait3A_202, %dma_wait3A_203] : memref<2x80x24xf32, #tpu.memory_space<vmem>> -> memref<1x80x24xf32, #tpu.memory_space<vmem>>
          %dma_wait3A_205 = tpu.memref_squeeze %dma_wait3A_204 : memref<1x80x24xf32, #tpu.memory_space<vmem>> -> memref<80x24xf32, #tpu.memory_space<vmem>>
          %dma_wait3A_206 = arith.constant 0 : i32
          %dma_wait3A_207 = arith.constant 0 : i32
          %dma_wait3A_208 = tpu.memref_slice %arg7[%dma_wait3A_201, %dma_wait3A_206, %dma_wait3A_207] : memref<2x10240x24xf32, #tpu.memory_space<hbm>> -> memref<1x80x24xf32, #tpu.memory_space<hbm>>
          %dma_wait3A_209 = tpu.memref_squeeze %dma_wait3A_208 : memref<1x80x24xf32, #tpu.memory_space<hbm>> -> memref<80x24xf32, #tpu.memory_space<hbm>>
          %dma_wait3A_210 = arith.constant 0 : i32
          %dma_wait3A_211 = arith.constant 0 : i32
          %dma_wait3A_212 = tpu.memref_slice %arg13[%sub3A_200, %dma_wait3A_210, %dma_wait3A_211] : memref<2x80x24xf32, #tpu.memory_space<vmem>> -> memref<1x80x24xf32, #tpu.memory_space<vmem>>
          %dma_wait3A_213 = tpu.memref_squeeze %dma_wait3A_212 : memref<1x80x24xf32, #tpu.memory_space<vmem>> -> memref<80x24xf32, #tpu.memory_space<vmem>>
          %dma_wait3A_214 = arith.constant 0 : i32
          %dma_wait3A_215 = arith.constant 0 : i32
          %dma_wait3A_216 = tpu.memref_slice %arg7[%dma_wait3A_201, %dma_wait3A_214, %dma_wait3A_215] : memref<2x10240x24xf32, #tpu.memory_space<hbm>> -> memref<1x80x24xf32, #tpu.memory_space<hbm>>
          %dma_wait3A_217 = tpu.memref_squeeze %dma_wait3A_216 : memref<1x80x24xf32, #tpu.memory_space<hbm>> -> memref<80x24xf32, #tpu.memory_space<hbm>>
          tpu.wait_dma2 semaphore(%arg17 : memref<!tpu.dma_semaphore, #tpu.memory_space<semaphore_mem>>) src(%dma_wait3A_217 : memref<80x24xf32, #tpu.memory_space<hbm>>) dst(%dma_wait3A_213 : memref<80x24xf32, #tpu.memory_space<vmem>>)
        } else {
        }
        %add3A_158 = arith.constant 1 : i32
        %add3A_159 = arith.addi %scan3A_126, %add3A_158 : i32
        %lt3A = arith.constant 25 : i32
        %lt3A_160 = arith.cmpi slt, %add3A_159, %lt3A : i32
        %convert_element_type3A_161 = arith.extui %lt3A_160 : i1 to i32
        %cond3A_162 = arith.constant 0 : i32
        %cond3A_163 = arith.cmpi ne, %convert_element_type3A_161, %cond3A_162 : i32
        scf.if %cond3A_163 {
          %add3A_184 = arith.constant 1 : i32
          %add3A_185 = arith.addi %scan3A_126, %add3A_184 : i32
          %sub3A = arith.constant 1 : i32
          %sub3A_186 = arith.subi %sub3A, %rem3A_127 : i32
          %dma_start3A_187 = arith.constant 0 : i32
          %dma_start3A_188 = arith.constant 0 : i32
          %dma_start3A_189 = tpu.memref_slice %arg12[%sub3A_186, %dma_start3A_187, %dma_start3A_188] : memref<2x80x128xf32, #tpu.memory_space<vmem>> -> memref<1x80x128xf32, #tpu.memory_space<vmem>>
          %dma_start3A_190 = tpu.memref_squeeze %dma_start3A_189 : memref<1x80x128xf32, #tpu.memory_space<vmem>> -> memref<80x128xf32, #tpu.memory_space<vmem>>
          %dma_start3A_191 = arith.constant 0 : i32
          %dma_start3A_192 = tpu.memref_slice %arg10[%add3A_185, %dma_start3A_191] : memref<25x80xi32, #tpu.memory_space<vmem>> -> memref<1x80xi32, #tpu.memory_space<vmem>>
          %dma_start3A_193 = tpu.memref_squeeze %dma_start3A_192 : memref<1x80xi32, #tpu.memory_space<vmem>> -> memref<80xi32, #tpu.memory_space<vmem>>
          %dma_start3A_194 = arith.constant 0 : i32
          %dma_start3A_195 = arith.constant 0 : i32
          %dma_start3A_196 = tpu.memref_slice %arg2[%dma_start3A_194, %dma_start3A_195] : memref<10000x128xf32, #tpu.memory_space<hbm>> -> memref<10000x128xf32, #tpu.memory_space<hbm>>
          tpu.enqueue_indirect_dma source(%dma_start3A_196 : memref<10000x128xf32, #tpu.memory_space<hbm>>) target(%dma_start3A_190 : memref<80x128xf32, #tpu.memory_space<vmem>>) offsets(%dma_start3A_193 : memref<80xi32, #tpu.memory_space<vmem>>) semaphore(%arg14 : memref<!tpu.dma_semaphore, #tpu.memory_space<semaphore_mem>>)
          %mul3A_197 = arith.constant 25 : i32
          %mul3A_198 = arith.muli %scan3A_54, %mul3A_197 : i32
          %add3A_199 = arith.addi %mul3A_198, %scan3A_126 : i32
          %add3A_200 = arith.constant 1 : i32
          %add3A_201 = arith.addi %add3A_199, %add3A_200 : i32
          %mul3A_202 = arith.constant 80 : i32
          %mul3A_203 = arith.muli %add3A_201, %mul3A_202 : i32
          %add3A_204 = arith.addi %mul3A_4, %mul3A_203 : i32
          %sub3A_205 = arith.constant 1 : i32
          %sub3A_206 = arith.subi %sub3A_205, %rem3A_127 : i32
          %dma_start3A_207 = arith.constant 0 : i32
          %dma_start3A_208 = arith.constant 0 : i32
          %dma_start3A_209 = tpu.memref_slice %arg13[%sub3A_206, %dma_start3A_207, %dma_start3A_208] : memref<2x80x24xf32, #tpu.memory_space<vmem>> -> memref<1x80x16xf32, #tpu.memory_space<vmem>>
          %dma_start3A_210 = tpu.memref_squeeze %dma_start3A_209 : memref<1x80x16xf32, #tpu.memory_space<vmem>> -> memref<80x16xf32, #tpu.memory_space<vmem>>
          %dma_start3A_211 = arith.constant 0 : i32
          %dma_start3A_212 = tpu.memref_slice %arg3[%add3A_204, %dma_start3A_211] : memref<320000x16xf32, #tpu.memory_space<hbm>> -> memref<80x16xf32, #tpu.memory_space<hbm>>
          %dma_start3A_213 = arith.constant 0 : i32
          %dma_start3A_214 = arith.constant 0 : i32
          %dma_start3A_215 = tpu.memref_slice %arg13[%sub3A_206, %dma_start3A_213, %dma_start3A_214] : memref<2x80x24xf32, #tpu.memory_space<vmem>> -> memref<1x80x16xf32, #tpu.memory_space<vmem>>
          %dma_start3A_216 = tpu.memref_squeeze %dma_start3A_215 : memref<1x80x16xf32, #tpu.memory_space<vmem>> -> memref<80x16xf32, #tpu.memory_space<vmem>>
          %dma_start3A_217 = arith.constant 0 : i32
          %dma_start3A_218 = tpu.memref_slice %arg3[%add3A_204, %dma_start3A_217] : memref<320000x16xf32, #tpu.memory_space<hbm>> -> memref<80x16xf32, #tpu.memory_space<hbm>>
          tpu.enqueue_dma source(%dma_start3A_218 : memref<80x16xf32, #tpu.memory_space<hbm>>) target(%dma_start3A_216 : memref<80x16xf32, #tpu.memory_space<vmem>>) target_semaphore(%arg15 : memref<!tpu.dma_semaphore, #tpu.memory_space<semaphore_mem>>)
        } else {
        }
        %dma_start3A_164 = arith.constant 0 : i32
        %dma_start3A_165 = arith.constant 0 : i32
        %dma_start3A_166 = tpu.memref_slice %arg12[%rem3A_127, %dma_start3A_164, %dma_start3A_165] : memref<2x80x128xf32, #tpu.memory_space<vmem>> -> memref<1x80x128xf32, #tpu.memory_space<vmem>>
        %dma_start3A_167 = tpu.memref_squeeze %dma_start3A_166 : memref<1x80x128xf32, #tpu.memory_space<vmem>> -> memref<80x128xf32, #tpu.memory_space<vmem>>
        %dma_start3A_168 = arith.constant 0 : i32
        %dma_start3A_169 = tpu.memref_slice %arg11[%scan3A_126, %dma_start3A_168] : memref<25x80xi32, #tpu.memory_space<vmem>> -> memref<1x80xi32, #tpu.memory_space<vmem>>
        %dma_start3A_170 = tpu.memref_squeeze %dma_start3A_169 : memref<1x80xi32, #tpu.memory_space<vmem>> -> memref<80xi32, #tpu.memory_space<vmem>>
        %dma_start3A_171 = arith.constant 0 : i32
        %dma_start3A_172 = arith.constant 0 : i32
        %dma_start3A_173 = tpu.memref_slice %arg8[%dma_start3A_171, %dma_start3A_172] : memref<10240x128xf32, #tpu.memory_space<vmem_shared>> -> memref<10240x128xf32, #tpu.memory_space<vmem_shared>>
        tpu.enqueue_indirect_dma source(%dma_start3A_167 : memref<80x128xf32, #tpu.memory_space<vmem>>) target(%dma_start3A_173 : memref<10240x128xf32, #tpu.memory_space<vmem_shared>>) offsets(%dma_start3A_170 : memref<80xi32, #tpu.memory_space<vmem>>) semaphore(%arg16 : memref<!tpu.dma_semaphore, #tpu.memory_space<semaphore_mem>>) {add = true}
        %dma_start3A_174 = arith.constant 0 : i32
        %dma_start3A_175 = arith.constant 0 : i32
        %dma_start3A_176 = tpu.memref_slice %arg13[%rem3A_127, %dma_start3A_174, %dma_start3A_175] : memref<2x80x24xf32, #tpu.memory_space<vmem>> -> memref<1x80x24xf32, #tpu.memory_space<vmem>>
        %dma_start3A_177 = tpu.memref_squeeze %dma_start3A_176 : memref<1x80x24xf32, #tpu.memory_space<vmem>> -> memref<80x24xf32, #tpu.memory_space<vmem>>
        %dma_start3A_178 = arith.constant 0 : i32
        %dma_start3A_179 = tpu.memref_slice %arg11[%scan3A_126, %dma_start3A_178] : memref<25x80xi32, #tpu.memory_space<vmem>> -> memref<1x80xi32, #tpu.memory_space<vmem>>
        %dma_start3A_180 = tpu.memref_squeeze %dma_start3A_179 : memref<1x80xi32, #tpu.memory_space<vmem>> -> memref<80xi32, #tpu.memory_space<vmem>>
        %dma_start3A_181 = arith.constant 0 : i32
        %dma_start3A_182 = arith.constant 0 : i32
        %dma_start3A_183 = tpu.memref_slice %arg9[%dma_start3A_181, %dma_start3A_182] : memref<10240x24xf32, #tpu.memory_space<vmem_shared>> -> memref<10240x24xf32, #tpu.memory_space<vmem_shared>>
        tpu.enqueue_indirect_dma source(%dma_start3A_177 : memref<80x24xf32, #tpu.memory_space<vmem>>) target(%dma_start3A_183 : memref<10240x24xf32, #tpu.memory_space<vmem_shared>>) offsets(%dma_start3A_180 : memref<80xi32, #tpu.memory_space<vmem>>) semaphore(%arg17 : memref<!tpu.dma_semaphore, #tpu.memory_space<semaphore_mem>>) {add = true}
      }
      %scan3A_93 = arith.constant 25 : i32
      %dma_wait3A = arith.constant 0 : i32
      %dma_wait3A_94 = arith.constant 0 : i32
      %dma_wait3A_95 = arith.constant 0 : i32
      %dma_wait3A_96 = tpu.memref_slice %arg12[%dma_wait3A, %dma_wait3A_94, %dma_wait3A_95] : memref<2x80x128xf32, #tpu.memory_space<vmem>> -> memref<1x80x128xf32, #tpu.memory_space<vmem>>
      %dma_wait3A_97 = tpu.memref_squeeze %dma_wait3A_96 : memref<1x80x128xf32, #tpu.memory_space<vmem>> -> memref<80x128xf32, #tpu.memory_space<vmem>>
      %dma_wait3A_98 = arith.constant 0 : i32
      %dma_wait3A_99 = arith.constant 0 : i32
      %dma_wait3A_100 = tpu.memref_slice %arg2[%dma_wait3A_98, %dma_wait3A_99] : memref<10000x128xf32, #tpu.memory_space<hbm>> -> memref<80x128xf32, #tpu.memory_space<hbm>>
      %dma_wait3A_101 = arith.constant 0 : i32
      %dma_wait3A_102 = arith.constant 0 : i32
      %dma_wait3A_103 = tpu.memref_slice %arg12[%dma_wait3A, %dma_wait3A_101, %dma_wait3A_102] : memref<2x80x128xf32, #tpu.memory_space<vmem>> -> memref<1x80x128xf32, #tpu.memory_space<vmem>>
      %dma_wait3A_104 = tpu.memref_squeeze %dma_wait3A_103 : memref<1x80x128xf32, #tpu.memory_space<vmem>> -> memref<80x128xf32, #tpu.memory_space<vmem>>
      %dma_wait3A_105 = arith.constant 0 : i32
      %dma_wait3A_106 = arith.constant 0 : i32
      %dma_wait3A_107 = tpu.memref_slice %arg2[%dma_wait3A_105, %dma_wait3A_106] : memref<10000x128xf32, #tpu.memory_space<hbm>> -> memref<80x128xf32, #tpu.memory_space<hbm>>
      tpu.wait_dma2 semaphore(%arg16 : memref<!tpu.dma_semaphore, #tpu.memory_space<semaphore_mem>>) src(%dma_wait3A_107 : memref<80x128xf32, #tpu.memory_space<hbm>>) dst(%dma_wait3A_104 : memref<80x128xf32, #tpu.memory_space<vmem>>)
      %dma_wait3A_108 = arith.constant 0 : i32
      %dma_wait3A_109 = arith.constant 0 : i32
      %dma_wait3A_110 = arith.constant 0 : i32
      %dma_wait3A_111 = arith.constant 0 : i32
      %dma_wait3A_112 = tpu.memref_slice %arg13[%dma_wait3A_109, %dma_wait3A_110, %dma_wait3A_111] : memref<2x80x24xf32, #tpu.memory_space<vmem>> -> memref<1x80x24xf32, #tpu.memory_space<vmem>>
      %dma_wait3A_113 = tpu.memref_squeeze %dma_wait3A_112 : memref<1x80x24xf32, #tpu.memory_space<vmem>> -> memref<80x24xf32, #tpu.memory_space<vmem>>
      %dma_wait3A_114 = arith.constant 0 : i32
      %dma_wait3A_115 = arith.constant 0 : i32
      %dma_wait3A_116 = tpu.memref_slice %arg7[%dma_wait3A_108, %dma_wait3A_114, %dma_wait3A_115] : memref<2x10240x24xf32, #tpu.memory_space<hbm>> -> memref<1x80x24xf32, #tpu.memory_space<hbm>>
      %dma_wait3A_117 = tpu.memref_squeeze %dma_wait3A_116 : memref<1x80x24xf32, #tpu.memory_space<hbm>> -> memref<80x24xf32, #tpu.memory_space<hbm>>
      %dma_wait3A_118 = arith.constant 0 : i32
      %dma_wait3A_119 = arith.constant 0 : i32
      %dma_wait3A_120 = tpu.memref_slice %arg13[%dma_wait3A_109, %dma_wait3A_118, %dma_wait3A_119] : memref<2x80x24xf32, #tpu.memory_space<vmem>> -> memref<1x80x24xf32, #tpu.memory_space<vmem>>
      %dma_wait3A_121 = tpu.memref_squeeze %dma_wait3A_120 : memref<1x80x24xf32, #tpu.memory_space<vmem>> -> memref<80x24xf32, #tpu.memory_space<vmem>>
      %dma_wait3A_122 = arith.constant 0 : i32
      %dma_wait3A_123 = arith.constant 0 : i32
      %dma_wait3A_124 = tpu.memref_slice %arg7[%dma_wait3A_108, %dma_wait3A_122, %dma_wait3A_123] : memref<2x10240x24xf32, #tpu.memory_space<hbm>> -> memref<1x80x24xf32, #tpu.memory_space<hbm>>
      %dma_wait3A_125 = tpu.memref_squeeze %dma_wait3A_124 : memref<1x80x24xf32, #tpu.memory_space<hbm>> -> memref<80x24xf32, #tpu.memory_space<hbm>>
      tpu.wait_dma2 semaphore(%arg17 : memref<!tpu.dma_semaphore, #tpu.memory_space<semaphore_mem>>) src(%dma_wait3A_125 : memref<80x24xf32, #tpu.memory_space<hbm>>) dst(%dma_wait3A_121 : memref<80x24xf32, #tpu.memory_space<vmem>>)
    }
    %scan3A_52 = arith.constant 5 : i32
    %barrier3A_53 = arith.constant 0 : index
    tpu.barrier barrier_id(%barrier3A_53)
    "tpu.region"() ({
      %run_scoped3A_54 = tpu.sem_alloc : memref<!tpu.dma_semaphore, #tpu.memory_space<semaphore_mem>>
      %dma_start3A = arith.constant 0 : i32
      %dma_start3A_55 = tpu.memref_slice %arg6[%arg0, %mul3A_2, %dma_start3A] : memref<2x10240x128xf32, #tpu.memory_space<hbm>> -> memref<1x640x128xf32, #tpu.memory_space<hbm>>
      %dma_start3A_56 = tpu.memref_squeeze %dma_start3A_55 : memref<1x640x128xf32, #tpu.memory_space<hbm>> -> memref<640x128xf32, #tpu.memory_space<hbm>>
      %dma_start3A_57 = arith.constant 0 : i32
      %dma_start3A_58 = tpu.memref_slice %arg8[%mul3A_2, %dma_start3A_57] : memref<10240x128xf32, #tpu.memory_space<vmem_shared>> -> memref<640x128xf32, #tpu.memory_space<vmem_shared>>
      tpu.enqueue_dma source(%dma_start3A_58 : memref<640x128xf32, #tpu.memory_space<vmem_shared>>) target(%dma_start3A_56 : memref<640x128xf32, #tpu.memory_space<hbm>>) target_semaphore(%run_scoped3A_54 : memref<!tpu.dma_semaphore, #tpu.memory_space<semaphore_mem>>)
      %dma_wait3A = arith.constant 0 : i32
      %dma_wait3A_59 = tpu.memref_slice %arg6[%arg0, %mul3A_2, %dma_wait3A] : memref<2x10240x128xf32, #tpu.memory_space<hbm>> -> memref<1x640x128xf32, #tpu.memory_space<hbm>>
      %dma_wait3A_60 = tpu.memref_squeeze %dma_wait3A_59 : memref<1x640x128xf32, #tpu.memory_space<hbm>> -> memref<640x128xf32, #tpu.memory_space<hbm>>
      %dma_wait3A_61 = arith.constant 0 : i32
      %dma_wait3A_62 = tpu.memref_slice %arg8[%mul3A_2, %dma_wait3A_61] : memref<10240x128xf32, #tpu.memory_space<vmem_shared>> -> memref<640x128xf32, #tpu.memory_space<vmem_shared>>
      tpu.wait_dma2 semaphore(%run_scoped3A_54 : memref<!tpu.dma_semaphore, #tpu.memory_space<semaphore_mem>>) src(%dma_wait3A_62 : memref<640x128xf32, #tpu.memory_space<vmem_shared>>) dst(%dma_wait3A_60 : memref<640x128xf32, #tpu.memory_space<hbm>>)
      tpu.yield
    }) : () -> ()
    "tpu.region"() ({
      %run_scoped3A_54 = tpu.sem_alloc : memref<!tpu.dma_semaphore, #tpu.memory_space<semaphore_mem>>
      %dma_start3A = arith.constant 0 : i32
      %dma_start3A_55 = tpu.memref_slice %arg7[%arg0, %mul3A_2, %dma_start3A] : memref<2x10240x24xf32, #tpu.memory_space<hbm>> -> memref<1x640x24xf32, #tpu.memory_space<hbm>>
      %dma_start3A_56 = tpu.memref_squeeze %dma_start3A_55 : memref<1x640x24xf32, #tpu.memory_space<hbm>> -> memref<640x24xf32, #tpu.memory_space<hbm>>
      %dma_start3A_57 = arith.constant 0 : i32
      %dma_start3A_58 = tpu.memref_slice %arg9[%mul3A_2, %dma_start3A_57] : memref<10240x24xf32, #tpu.memory_space<vmem_shared>> -> memref<640x24xf32, #tpu.memory_space<vmem_shared>>
      tpu.enqueue_dma source(%dma_start3A_58 : memref<640x24xf32, #tpu.memory_space<vmem_shared>>) target(%dma_start3A_56 : memref<640x24xf32, #tpu.memory_space<hbm>>) target_semaphore(%run_scoped3A_54 : memref<!tpu.dma_semaphore, #tpu.memory_space<semaphore_mem>>)
      %dma_wait3A = arith.constant 0 : i32
      %dma_wait3A_59 = tpu.memref_slice %arg7[%arg0, %mul3A_2, %dma_wait3A] : memref<2x10240x24xf32, #tpu.memory_space<hbm>> -> memref<1x640x24xf32, #tpu.memory_space<hbm>>
      %dma_wait3A_60 = tpu.memref_squeeze %dma_wait3A_59 : memref<1x640x24xf32, #tpu.memory_space<hbm>> -> memref<640x24xf32, #tpu.memory_space<hbm>>
      %dma_wait3A_61 = arith.constant 0 : i32
      %dma_wait3A_62 = tpu.memref_slice %arg9[%mul3A_2, %dma_wait3A_61] : memref<10240x24xf32, #tpu.memory_space<vmem_shared>> -> memref<640x24xf32, #tpu.memory_space<vmem_shared>>
      tpu.wait_dma2 semaphore(%run_scoped3A_54 : memref<!tpu.dma_semaphore, #tpu.memory_space<semaphore_mem>>) src(%dma_wait3A_62 : memref<640x24xf32, #tpu.memory_space<vmem_shared>>) dst(%dma_wait3A_60 : memref<640x24xf32, #tpu.memory_space<hbm>>)
      tpu.yield
    }) : () -> ()
    return
  }
}

module attributes {stable_mosaic.version = 14 : i64} {
  func.func @body(%arg0: i32, %arg1: memref<2x2000x128xf32, #tpu.memory_space<vmem>>, %arg2: memref<2x2000x24xf32, #tpu.memory_space<vmem>>, %arg3: memref<2000x128xf32, #tpu.memory_space<vmem>>, %arg4: memref<128x128xf32, #tpu.memory_space<vmem>>, %arg5: memref<16x128xf32, #tpu.memory_space<vmem>>, %arg6: memref<1x128xf32, #tpu.memory_space<vmem>>, %arg7: memref<128x128xf32, #tpu.memory_space<vmem>>, %arg8: memref<128x128xf32, #tpu.memory_space<vmem>>, %arg9: memref<1x128xf32, #tpu.memory_space<vmem>>, %arg10: memref<2000x128xf32, #tpu.memory_space<vmem>>) attributes {dimension_semantics = [#tpu.dimension_semantics<arbitrary>], iteration_bounds = array<i64: 5>, scalar_prefetch = 0 : i64, scratch_operands = 0 : i64, tpu.core_type = #tpu.core_type<tc>, window_params = [{transform_indices = @transform_0, window_bounds = array<i64: 2, 2000, 128>}, {transform_indices = @transform_1, window_bounds = array<i64: 2, 2000, 24>}, {transform_indices = @transform_2, window_bounds = array<i64: 2000, 128>}, {pipeline_mode = #tpu.pipeline_mode<synchronous>, transform_indices = @transform_3, window_bounds = array<i64: 128, 128>}, {pipeline_mode = #tpu.pipeline_mode<synchronous>, transform_indices = @transform_4, window_bounds = array<i64: 16, 128>}, {pipeline_mode = #tpu.pipeline_mode<synchronous>, transform_indices = @transform_5, window_bounds = array<i64: 1, 128>}, {pipeline_mode = #tpu.pipeline_mode<synchronous>, transform_indices = @transform_6, window_bounds = array<i64: 128, 128>}, {pipeline_mode = #tpu.pipeline_mode<synchronous>, transform_indices = @transform_7, window_bounds = array<i64: 128, 128>}, {pipeline_mode = #tpu.pipeline_mode<synchronous>, transform_indices = @transform_8, window_bounds = array<i64: 1, 128>}, {transform_indices = @transform_9, window_bounds = array<i64: 2000, 128>}]} {
    %get3A = arith.constant 0 : index
    %get3A_0 = arith.constant 0 : index
    %get3A_1 = arith.constant 0 : index
    %get3A_2 = vector.load %arg1[%get3A, %get3A_0, %get3A_1] : memref<2x2000x128xf32, #tpu.memory_space<vmem>>, vector<1x2000x128xf32>
    %get3A_3 = vector.shape_cast %get3A_2 : vector<1x2000x128xf32> to vector<2000x128xf32>
    %get3A_4 = arith.constant 1 : index
    %get3A_5 = arith.constant 0 : index
    %get3A_6 = arith.constant 0 : index
    %get3A_7 = vector.load %arg1[%get3A_4, %get3A_5, %get3A_6] : memref<2x2000x128xf32, #tpu.memory_space<vmem>>, vector<1x2000x128xf32>
    %get3A_8 = vector.shape_cast %get3A_7 : vector<1x2000x128xf32> to vector<2000x128xf32>
    %add3A = arith.addf %get3A_3, %get3A_8 : vector<2000x128xf32>
    %get3A_9 = arith.constant 0 : index
    %get3A_10 = arith.constant 0 : index
    %get3A_11 = arith.constant 0 : index
    %get3A_12 = vector.load %arg2[%get3A_9, %get3A_10, %get3A_11] : memref<2x2000x24xf32, #tpu.memory_space<vmem>>, vector<1x2000x16xf32>
    %get3A_13 = vector.shape_cast %get3A_12 : vector<1x2000x16xf32> to vector<2000x16xf32>
    %get3A_14 = arith.constant 1 : index
    %get3A_15 = arith.constant 0 : index
    %get3A_16 = arith.constant 0 : index
    %get3A_17 = vector.load %arg2[%get3A_14, %get3A_15, %get3A_16] : memref<2x2000x24xf32, #tpu.memory_space<vmem>>, vector<1x2000x16xf32>
    %get3A_18 = vector.shape_cast %get3A_17 : vector<1x2000x16xf32> to vector<2000x16xf32>
    %add3A_19 = arith.addf %get3A_13, %get3A_18 : vector<2000x16xf32>
    %get3A_20 = arith.constant 0 : index
    %get3A_21 = arith.constant 0 : index
    %get3A_22 = arith.constant 16 : index
    %get3A_23 = vector.load %arg2[%get3A_20, %get3A_21, %get3A_22] : memref<2x2000x24xf32, #tpu.memory_space<vmem>>, vector<1x2000x1xf32>
    %get3A_24 = vector.shape_cast %get3A_23 : vector<1x2000x1xf32> to vector<2000x1xf32>
    %get3A_25 = arith.constant 1 : index
    %get3A_26 = arith.constant 0 : index
    %get3A_27 = arith.constant 16 : index
    %get3A_28 = vector.load %arg2[%get3A_25, %get3A_26, %get3A_27] : memref<2x2000x24xf32, #tpu.memory_space<vmem>>, vector<1x2000x1xf32>
    %get3A_29 = vector.shape_cast %get3A_28 : vector<1x2000x1xf32> to vector<2000x1xf32>
    %add3A_30 = arith.addf %get3A_24, %get3A_29 : vector<2000x1xf32>
    %get3A_31 = arith.constant 0 : index
    %get3A_32 = arith.constant 0 : index
    %get3A_33 = vector.load %arg4[%get3A_31, %get3A_32] : memref<128x128xf32, #tpu.memory_space<vmem>>, vector<128x128xf32>
    %dot_general3A = arith.constant dense<0.000000e+00> : vector<2000x128xf32>
    %dot_general3A_34 = tpu.matmul %add3A, %get3A_33, %dot_general3A {dimension_numbers = #tpu.dot_dimension_numbers<[1], [0], [0], [1], [0, 0, 1, 1], [], []>, transpose_lhs_hint = false} : vector<2000x128xf32>, vector<128x128xf32>, vector<2000x128xf32> -> vector<2000x128xf32>
    %get3A_35 = arith.constant 0 : index
    %get3A_36 = arith.constant 0 : index
    %get3A_37 = vector.load %arg5[%get3A_35, %get3A_36] : memref<16x128xf32, #tpu.memory_space<vmem>>, vector<16x128xf32>
    %dot_general3A_38 = arith.constant dense<0.000000e+00> : vector<2000x128xf32>
    %dot_general3A_39 = tpu.matmul %add3A_19, %get3A_37, %dot_general3A_38 {dimension_numbers = #tpu.dot_dimension_numbers<[1], [0], [0], [1], [0, 0, 1, 1], [], []>, transpose_lhs_hint = false} : vector<2000x16xf32>, vector<16x128xf32>, vector<2000x128xf32> -> vector<2000x128xf32>
    %add3A_40 = arith.addf %dot_general3A_34, %dot_general3A_39 : vector<2000x128xf32>
    %get3A_41 = arith.constant 0 : index
    %get3A_42 = arith.constant 0 : index
    %get3A_43 = vector.load %arg6[%get3A_41, %get3A_42] : memref<1x128xf32, #tpu.memory_space<vmem>>, vector<1x128xf32>
    %mul3A = vector.broadcast %add3A_30 : vector<2000x1xf32> to vector<2000x128xf32>
    %mul3A_44 = vector.broadcast %get3A_43 : vector<1x128xf32> to vector<2000x128xf32>
    %mul3A_45 = arith.mulf %mul3A, %mul3A_44 : vector<2000x128xf32>
    %add3A_46 = arith.addf %add3A_40, %mul3A_45 : vector<2000x128xf32>
    %max3A = arith.constant 1.000000e+00 : f32
    %max3A_47 = vector.broadcast %max3A : f32 to vector<2000x1xf32>
    %max3A_48 = arith.maximumf %add3A_30, %max3A_47 : vector<2000x1xf32>
    %div3A = vector.broadcast %max3A_48 : vector<2000x1xf32> to vector<2000x128xf32>
    %div3A_49 = arith.divf %add3A_46, %div3A : vector<2000x128xf32>
    %get3A_50 = arith.constant 0 : index
    %get3A_51 = arith.constant 0 : index
    %get3A_52 = vector.load %arg3[%get3A_50, %get3A_51] : memref<2000x128xf32, #tpu.memory_space<vmem>>, vector<2000x128xf32>
    %get3A_53 = arith.constant 0 : index
    %get3A_54 = arith.constant 0 : index
    %get3A_55 = vector.load %arg7[%get3A_53, %get3A_54] : memref<128x128xf32, #tpu.memory_space<vmem>>, vector<128x128xf32>
    %dot_general3A_56 = arith.constant dense<0.000000e+00> : vector<2000x128xf32>
    %dot_general3A_57 = tpu.matmul %get3A_52, %get3A_55, %dot_general3A_56 {dimension_numbers = #tpu.dot_dimension_numbers<[1], [0], [0], [1], [0, 0, 1, 1], [], []>, transpose_lhs_hint = false} : vector<2000x128xf32>, vector<128x128xf32>, vector<2000x128xf32> -> vector<2000x128xf32>
    %get3A_58 = arith.constant 0 : index
    %get3A_59 = arith.constant 0 : index
    %get3A_60 = vector.load %arg8[%get3A_58, %get3A_59] : memref<128x128xf32, #tpu.memory_space<vmem>>, vector<128x128xf32>
    %dot_general3A_61 = arith.constant dense<0.000000e+00> : vector<2000x128xf32>
    %dot_general3A_62 = tpu.matmul %div3A_49, %get3A_60, %dot_general3A_61 {dimension_numbers = #tpu.dot_dimension_numbers<[1], [0], [0], [1], [0, 0, 1, 1], [], []>, transpose_lhs_hint = false} : vector<2000x128xf32>, vector<128x128xf32>, vector<2000x128xf32> -> vector<2000x128xf32>
    %add3A_63 = arith.addf %dot_general3A_57, %dot_general3A_62 : vector<2000x128xf32>
    %get3A_64 = arith.constant 0 : index
    %get3A_65 = arith.constant 0 : index
    %get3A_66 = vector.load %arg9[%get3A_64, %get3A_65] : memref<1x128xf32, #tpu.memory_space<vmem>>, vector<1x128xf32>
    %add3A_67 = vector.broadcast %get3A_66 : vector<1x128xf32> to vector<2000x128xf32>
    %add3A_68 = arith.addf %add3A_63, %add3A_67 : vector<2000x128xf32>
    %max3A_69 = arith.constant 0.000000e+00 : f32
    %max3A_70 = vector.broadcast %max3A_69 : f32 to vector<2000x128xf32>
    %max3A_71 = arith.maximumf %add3A_68, %max3A_70 : vector<2000x128xf32>
    %swap3A = arith.constant 0 : index
    %swap3A_72 = arith.constant 0 : index
    %swap3A_73 = vector.load %arg10[%swap3A, %swap3A_72] : memref<2000x128xf32, #tpu.memory_space<vmem>>, vector<2000x128xf32>
    tpu.vector_store %arg10[%swap3A, %swap3A_72], %max3A_71 {strides = array<i32>} : memref<2000x128xf32, #tpu.memory_space<vmem>>, vector<2000x128xf32>,
    return
  }
  func.func @transform_0(%arg0: i32) -> (i32, i32, i32) {
    %c0_i32 = arith.constant 0 : i32
    %c0_i32_0 = arith.constant 0 : i32
    %c0_i32_1 = arith.constant 0 : i32
    return %c0_i32, %arg0, %c0_i32_0 : i32, i32, i32
  }
  func.func @transform_1(%arg0: i32) -> (i32, i32, i32) {
    %c0_i32 = arith.constant 0 : i32
    %c0_i32_0 = arith.constant 0 : i32
    %c0_i32_1 = arith.constant 0 : i32
    return %c0_i32, %arg0, %c0_i32_0 : i32, i32, i32
  }
  func.func @transform_2(%arg0: i32) -> (i32, i32) {
    %c0_i32 = arith.constant 0 : i32
    %c0_i32_0 = arith.constant 0 : i32
    return %arg0, %c0_i32 : i32, i32
  }
  func.func @transform_3(%arg0: i32) -> (i32, i32) {
    %c0_i32 = arith.constant 0 : i32
    %c0_i32_0 = arith.constant 0 : i32
    %c0_i32_1 = arith.constant 0 : i32
    return %c0_i32, %c0_i32_0 : i32, i32
  }
  func.func @transform_4(%arg0: i32) -> (i32, i32) {
    %c0_i32 = arith.constant 0 : i32
    %c0_i32_0 = arith.constant 0 : i32
    %c0_i32_1 = arith.constant 0 : i32
    return %c0_i32, %c0_i32_0 : i32, i32
  }
  func.func @transform_5(%arg0: i32) -> (i32, i32) {
    %c0_i32 = arith.constant 0 : i32
    %c0_i32_0 = arith.constant 0 : i32
    %c0_i32_1 = arith.constant 0 : i32
    return %c0_i32, %c0_i32_0 : i32, i32
  }
  func.func @transform_6(%arg0: i32) -> (i32, i32) {
    %c0_i32 = arith.constant 0 : i32
    %c0_i32_0 = arith.constant 0 : i32
    %c0_i32_1 = arith.constant 0 : i32
    return %c0_i32, %c0_i32_0 : i32, i32
  }
  func.func @transform_7(%arg0: i32) -> (i32, i32) {
    %c0_i32 = arith.constant 0 : i32
    %c0_i32_0 = arith.constant 0 : i32
    %c0_i32_1 = arith.constant 0 : i32
    return %c0_i32, %c0_i32_0 : i32, i32
  }
  func.func @transform_8(%arg0: i32) -> (i32, i32) {
    %c0_i32 = arith.constant 0 : i32
    %c0_i32_0 = arith.constant 0 : i32
    %c0_i32_1 = arith.constant 0 : i32
    return %c0_i32, %c0_i32_0 : i32, i32
  }
  func.func @transform_9(%arg0: i32) -> (i32, i32) {
    %c0_i32 = arith.constant 0 : i32
    %c0_i32_0 = arith.constant 0 : i32
    return %arg0, %c0_i32 : i32, i32
  }
}

</mosaic_0001>

<sc_bundles>
// kernel: kernel.4.cloned.1.call-start
scs
__scs_entry_jumppad:
0x0: {  	(pc) =	sbr.rel $0x88, $3  }
0x1: {  	(tag) =	ssettag $0x0;
	lr =	simm.s32 $0x1  }
0x2: {  	[smem:$0x3F9A] =	sst lr;
	_ =	strace $0xD0000000  }
0x3: {  	_ = 	snop  }
0x4: {  	_ = 	snop  }
0x5: {  	_ = 	snop  }
0x6: {  	_ = 	snop  }
0x7: {  	_ = 	snop  }
__scs_overlays_trampoline_lowered:
0x8: {  	[smem:$0x3FA9] =	sst s0  }
0x9: {  	[smem:$0x3FAA] =	sst s1  }
0xa: {  	[smem:$0x3FAB] =	sst s2  }
0xb: {  	[smem:$0x3FAC] =	sst s3  }
0xc: {  	[smem:$0x3FAD] =	sst s4  }
0xd: {  	[smem:$0x3FAE] =	sst s5  }
0xe: {  	[smem:$0x3FAF] =	sst s6  }
0xf: {  	[smem:$0x3FB0] =	sst s7  }
0x10: {  	[smem:$0x3FB1] =	sst s8  }
0x11: {  	[smem:$0x3FB2] =	sst s9;
	s0 =	simm.s32 @!p0 $0x0  }
0x12: {  	s1 =	sld [smem:$0x3F98];
	s0 =	simm.s32 @p0 $0x1  }
0x13: {  	[smem:$0x3FB3] =	sst s0;
	s0 =	simm.s32 @!p1 $0x0  }
0x14: {  	s2 =	sld [smem:$0x3F97];
	s0 =	simm.s32 @p1 $0x1  }
0x15: {  	[smem:$0x3FB4] =	sst s0;
	s0 =	simm.s32 @!p2 $0x0  }
0x16: {  	s3 =	sld [smem:$0x3FDB];
	s0 =	simm.s32 @p2 $0x1  }
0x17: {  	s4 =	simm.s32 $0x1BF5;
	[smem:$0x3FB6] =	sst s0  }
0x18: {  	s0 =	sld [smem:$0x3F99];
	_ =	swait.ge [sflag:s4], $0x0  }
0x19: {  	s7 =	sld [smem:$0x3F9A]  }
0x1a: {  	s8 =	sadd.s32 $0xFFFFE003, lr  }
0x1b: {  	s9 =	sadd.s32 $0xFFFFFEF7, lr;
	s5 =	simm.s32 $0xFFFFFFFF;
	p2 =	slt.u32 s8, $0xFFFFF086  }
0x1c: {  	p1 =	slt.u32 s9, $0xF7A;
	s5 =	simm.s32 @!p2 $0x0  }
0x1d: {  	s5 =	simm.s32 @p1 $0x1;
	p0 =	seq.s32 s7, s2  }
0x1e: {  	s7 =	smul.u32 @!p0 $0xF7A, s2;
	p2 =	seq.s32 @!p0 s5, $0x0  }
0x1f: {  	s9 =	smul.u32 $0xF7A, s1;
	s8 =	simm.s32 @!p0 $0x1BF5;
	p2 =	por !p2, p0  }
0x20: {  	[sflag:s8] =	ssyncset.s32 @!p0 $0xFFFFF086;
	s6 =	sadd.s32 @!p0 s3, s7;
	s7 =	simm.s32 @!p0 $0x108  }
0x21: {  	s3 =	sadd.s32 s3, s9;
	s6 =	sadd.s32 @!p0 $0x88, s6;
	s7 =	simm.s32 @p2 $0x1082  }
0x22: {  	[simem:s7], [sflag:s8] =	dma.local @!p0 [hbm:s6], $0xF7A  }
0x23: {  	s9 =	sor.u32 $0xD0000000, s2;
	s6 =	simm.s32 $0x108;
	_ =	swait.ge @!p0 [sflag:s8], $0x0  }
0x24: {  	s3 =	sadd.s32 $0x88, s3;
	s6 =	simm.s32 @!p1 $0x1082;
	[sflag:s4] =	ssyncset.s32 $0xFFFFF086  }
0x25: {  	[simem:s6], [sflag:s4] =	dma.local [hbm:s3], $0xF7A  }
0x26: {  	[smem:$0x3F9A] =	sst s1;
	(tag) =	ssettag s2;
	_ =	strace s9  }
0x27: {  	s1 =	sld [smem:$0x3FAA]  }
0x28: {  	s2 =	sld [smem:$0x3FAB]  }
0x29: {  	s4 =	sld [smem:$0x3FAD]  }
0x2a: {  	p0 =	seq.s32 s5, $0x0;
	s5 =	sld [smem:$0x3FAE]  }
0x2b: {  	s6 =	sld [smem:$0x3FAF]  }
0x2c: {  	s7 =	sld [smem:$0x3FB0]  }
0x2d: {  	s3 =	simm.s32 $0x108;
	s8 =	sld [smem:$0x3FB1]  }
0x2e: {  	s3 =	simm.s32 @!p0 $0x1082;
	s9 =	sld [smem:$0x3FB2]  }
0x2f: {  	lr =	sadd.s32 s0, s3;
	s0 =	sld [smem:$0x3FA9]  }
0x30: {  	s3 =	sld [smem:$0x3FAC]  }
0x31: {  	[smem:$0x3FB5] =	sst s10  }
0x32: {  	s10 =	sld [smem:$0x3FB3];
	_ =	sdelay $0x3  }
0x33: {  	p0 =	seq.s32 s10, $0x1;
	s10 =	sld [smem:$0x3FB5];
	_ =	sdelay $0x3  }
0x34: {  	[smem:$0x3FB5] =	sst s10  }
0x35: {  	s10 =	sld [smem:$0x3FB4];
	_ =	sdelay $0x3  }
0x36: {  	p1 =	seq.s32 s10, $0x1;
	s10 =	sld [smem:$0x3FB5];
	_ =	sdelay $0x3  }
0x37: {  	[smem:$0x3FB5] =	sst s10  }
0x38: {  	s10 =	sld [smem:$0x3FB6]  }
0x39: {  	_ = 	snop;
	(pc) =	sbr.ind lr, $3  }
0x3a: {  	_ = 	snop  }
0x3b: {  	_ = 	snop  }
0x3c: {  	p2 =	seq.s32 s10, $0x1;
	s10 =	sld [smem:$0x3FB5]  }
0x3d: {  	_ =	shalt  }
0x3e: {  	_ =	shalt  }
0x3f: {  	_ =	shalt  }
0x40: {  	_ =	shalt  }
0x41: {  	_ =	shalt  }
0x42: {  	_ =	shalt  }
0x43: {  	_ =	shalt  }
0x44: {  	_ =	shalt  }
0x45: {  	_ =	shalt  }
0x46: {  	_ =	shalt  }
0x47: {  	_ =	shalt  }
0x48: {  	_ =	shalt  }
0x49: {  	_ =	shalt  }
0x4a: {  	_ =	shalt  }
0x4b: {  	_ =	shalt  }
0x4c: {  	_ =	shalt  }
0x4d: {  	_ =	shalt  }
0x4e: {  	_ =	shalt  }
0x4f: {  	_ =	shalt  }
0x50: {  	_ =	shalt  }
0x51: {  	_ =	shalt  }
0x52: {  	_ =	shalt  }
0x53: {  	_ =	shalt  }
0x54: {  	_ =	shalt  }
0x55: {  	_ =	shalt  }
0x56: {  	_ =	shalt  }
0x57: {  	_ =	shalt  }
0x58: {  	_ =	shalt  }
0x59: {  	_ =	shalt  }
0x5a: {  	_ =	shalt  }
0x5b: {  	_ =	shalt  }
0x5c: {  	_ =	shalt  }
0x5d: {  	_ =	shalt  }
0x5e: {  	_ =	shalt  }
0x5f: {  	_ =	shalt  }
0x60: {  	_ =	shalt  }
0x61: {  	_ =	shalt  }
0x62: {  	_ =	shalt  }
0x63: {  	_ =	shalt  }
0x64: {  	_ =	shalt  }
0x65: {  	_ =	shalt  }
0x66: {  	_ =	shalt  }
0x67: {  	_ =	shalt  }
0x68: {  	_ =	shalt  }
0x69: {  	_ =	shalt  }
0x6a: {  	_ =	shalt  }
0x6b: {  	_ =	shalt  }
0x6c: {  	_ =	shalt  }
0x6d: {  	_ =	shalt  }
0x6e: {  	_ =	shalt  }
0x6f: {  	_ =	shalt  }
0x70: {  	_ =	shalt  }
0x71: {  	_ =	shalt  }
0x72: {  	_ =	shalt  }
0x73: {  	_ =	shalt  }
0x74: {  	_ =	shalt  }
0x75: {  	_ =	shalt  }
0x76: {  	_ =	shalt  }
0x77: {  	_ =	shalt  }
0x78: {  	_ =	shalt  }
0x79: {  	_ =	shalt  }
0x7a: {  	_ =	shalt  }
0x7b: {  	_ =	shalt  }
0x7c: {  	_ =	shalt  }
0x7d: {  	_ =	shalt  }
0x7e: {  	_ =	shalt  }
0x7f: {  	_ =	shalt  }
0x80: {  	_ =	shalt  }
0x81: {  	_ =	shalt  }
0x82: {  	_ =	shalt  }
0x83: {  	_ =	shalt  }
0x84: {  	_ =	shalt  }
0x85: {  	_ =	shalt  }
0x86: {  	_ =	shalt  }
0x87: {  	_ =	shalt  }
.Lfunc_end0:
.L_simem_size_0:
called_computation_lowered:
.L_overlay_start_0:
0x88: {  	s2 =	sld [smem:$0x3FD9]  }
0x89: {  	s3 =	sld [smem:$0x3FFE];
	_ =	sdelay $0x1  }
0x8a: {  	s1 =	srdreg.scid  }
0x8b: {  	s0 =	sand.u32 $0x1, s1  }
0x8c: {  	s17 =	sshll.u32 s0, $0xA;
	s2 =	sadd.s32 s3, s2  }
0x8d: {  	s2 =	sadd.s32 s2, s17  }
0x8e: {  	[smem:$0x3FC1] =	sst s2  }
0x8f: {  	_ = 	snop  }
0x90: {  	s2 =	sld [smem:$0x3FC9]  }
0x91: {  	s18 =	sld [smem:$0x3FD0];
	(tm) =	ssettm $0x1  }
0x92: {  	s4 =	sld [smem:$0x3FFB];
	_ =	sdelay $0x3  }
0x93: {  	_ =	strace s4  }
0x94: {  	s4 =	sld [smem:$0x3FFC];
	_ =	sdelay $0x3  }
0x95: {  	_ =	strace s4  }
0x96: {  	s4 =	sld [smem:$0x3FFD];
	_ =	sdelay $0x3  }
0x97: {  	_ =	strace s4  }
0x98: {  	_ =	strace $0x8FFFFFFF  }
0x99: {  	s19 =	sld [smem:$0x3FDB];
	_ =	sdelay $0x1  }
0x9a: {  	s5 =	simm.s32 $_scs_section_size  }
0x9b: {  	s6 =	simm.s32 $_size__tile_overlayer_lowered;
	s7 =	simm.s32 $_tile_overlayer_lowered  }
0x9c: {  	s22 =	simm.s32 $0x1BFF;
	s21 =	sshll.u32 s7, $0x1;
	s4 =	sadd.s32 s5, s19  }
0x9d: {  	s8 =	simm.s32 $0x0;
	s20 =	sshll.u32 s6, $0x1;
	s6 =	sadd.s32 s21, s4  }
0x9e: {  	[timem:s8], [sflag:s22] =	dma.local [hbm:s6], s20  }
0x9f: {  	_ =	swait.ge [sflag:s22], s20  }
0xa0: {  	s5 =	ssub.s32 $0x0, s20;
	[sflag:s22] =	ssyncset.done $0x0  }
0xa1: {  	[sflag:s22] =	ssyncadd.s32 s5;
	_ =	sdelay $0x1  }
0xa2: {  	s23 =	simm.s32 $0x1B8B  }
0xa3: {  	_ =	swait.ge [sflag:s23], $0x1  }
0xa4: {  	[sflag:s23] =	ssyncset.done $0x0  }
0xa5: {  	s25 =	simm.s32 $0x1B8E;
	s24 =	sld [smem:$0x3FFE];
	[sflag:s23] =	ssyncadd.s32 $0xFFFFFFFF  }
0xa6: {  	s26 =	simm.s32 $execute0_lowered;
	[smem:$0x3FD2] =	sst s25  }
0xa7: {  	s6 =	sshll.u32 s26, $0x1;
	_ =	strace $0x80000046;
	[dreg:$0x1] =	wrdreg $0xFFFFFFFF  }
0xa8: {  	s28 =	simm.s32 $_size_execute0_lowered;
	s4 =	sadd.s32 s4, s6;
	[dreg:$0x0] =	wrdreg $0x0  }
0xa9: {  	s6 =	sshll.u32 s28, $0x1;
	[dreg:$0x2] =	wrdreg s4  }
0xaa: {  	[dreg:$0x3] =	wrdreg s6  }
0xab: {  	[dreg:$0x4] =	wrdreg $0xC0  }
0xac: {  	_ =	task [dreg:s8], $0x5FFFF  }
0xad: {  	[dreg:$0x1] =	wrdreg $0xFFFFFFFF  }
0xae: {  	[dreg:$0x0] =	wrdreg $0x60  }
0xaf: {  	[dreg:$0x2] =	wrdreg s2  }
0xb0: {  	[dreg:$0x3] =	wrdreg s24  }
0xb1: {  	[dreg:$0x4] =	wrdreg s18  }
0xb2: {  	[dreg:$0x5] =	wrdreg $0x0  }
0xb3: {  	[dreg:$0x6] =	wrdreg $0x140000  }
0xb4: {  	[dreg:$0x7] =	wrdreg $0x9  }
0xb5: {  	_ =	task.clear_ibuf [dreg:s8], $0x8FFFF;
	_ =	strace $0x90000046  }
0xb6: {  	s29 =	simm.s32 $0x9;
	_ =	strace $0x80000048  }
0xb7: {  	_ =	swait.ge [sflag:s29], $0x1  }
0xb8: {  	[sflag:s29] =	ssyncadd.s32 $0xFFFFFFFF  }
0xb9: {  	_ =	strace $0x90000048  }
0xba: {  	_ =	sfence  }
0xbb: {  	s30 =	sld [smem:$0x0];
	_ =	sdelay $0x2  }
0xbc: {  	s31 =	sshll.u32 s1, $0xD;
	s1 =	sshrl.u32 s1, $0x2  }
0xbd: {  	s3 =	sand.u32 $0x4000, s31;
	s1 =	sadd.s32 s1, s30  }
0xbe: {  	s0 =	sor.u32 s3, s0;
	s1 =	sshll.u32 s1, $0x11  }
0xbf: {  	s0 =	sor.u32 s1, s0  }
0xc0: {  	s0 =	sadd.s32 $0x8F2B, s0  }
0xc1: {  	[sflag:s0] =	ssyncadd.remote.s32 $0x1  }
0xc2: {  	_ =	sfence.sel $0xFFFF  }
0xc3: {  	[dreg:$0x0] =	wrdreg $0xFFFFFFFF;
	(pc) =	sbr.abs _section_cstart, $3  }
0xc4: {  	[dreg:$0x1] =	wrdreg $0xFFFFFFFF  }
0xc5: {  	_ =	task.clear_ibuf [dreg:s8], $0x2FFFF;
	_ =	strace $0x9FFFFFFF  }
0xc6: {  	(tm) =	ssettm $0x7FFFFFFF  }
0xc7: {  	_ =	shalt  }
tec
execute0_lowered:
.L_overlay_start_1:
0x0: {  	(tag) =	ssettag $0x1  }
0x1: {  	s1 =	rddreg [dreg:$0x0]  }
0x2: {  	s0 =	rddreg [dreg:$0x1]  }
0x3: {  	s2 =	rddreg [dreg:$0x2]  }
0x4: {  	s3 =	rddreg [dreg:$0x3];
	s17 =	stileid.u32  }
0x5: {  	s4 =	rddreg [dreg:$0x4];
	s11 =	smul.u32 $0x14000, s17  }
0x6: {  	s6 =	srdreg.scid;
	s14 =	smul.u32 $0x280, s17  }
0x7: {  	s5 =	simm.s32 $0x0;
	s31 =	simm.s32 $0x18BA0;
	s18 =	smul.u32 $0x3C00, s17  }
0x8: {  	s10 =	sand.u32 $0x1, s6;
	[smem:$0x7FF] =	sst s5;
	s25 =	smul.u32 $0xF000, s17  }
0x9: {  	s6 =	sadd.s32 $0x4E3600, s0;
	s7 =	sadd.s32 $0xB400, s0;
	s8 =	smul.u32 $0x140000, s10  }
0xa: {  	_ =	strace $0x80000047;
	s12 =	sshll.u32 s10, $0x4;
	s13 =	ssub.s32 $0x2, s10  }
0xb: {  	s10 =	smul.u32 $0x3C000, s10;
	s12 =	sor.u32 s17, s12;
	s15 =	sshrl.u32 s13, $0x1  }
0xc: {  	s19 =	sor.u32 $0x50, s14;
	s22 =	sadd.s32 s11, s3;
	s23 =	sadd.s32 s18, s4  }
0xd: {  	s21 =	sadd.s32 $0xA0, s14;
	s14 =	sshll.u32 s14, $0x7;
	s26 =	sadd.s32 $0x5A00, s25  }
0xe: {  	s17 =	sadd.s32 $0xB400, s25;
	s9 =	sadd.s32 s11, s8;
	s8 =	sadd.s32 $0x1600, s0  }
0xf: {  	s20 =	sshll.u32 s19, $0x7;
	s16 =	sshll.u32 s21, $0x7;
	[dreg:$0x6] =	wrdreg s22  }
0x10: {  	s10 =	sadd.s32 s18, s10;
	[dreg:$0x7] =	wrdreg s23;
	s9 =	sshrl.u32 s9, $0x3  }
0x11: {  	s11 =	sadd.s32 s20, s3;
	s24 =	sadd.s32 s16, s3;
	s10 =	sshrl.u32 s10, $0x3  }
0x12: {  	s16 =	sadd.s32 $0x9600, s25;
	s0 =	sadd.s32 s9, s0;
	s9 =	smul.u32 $0x2710, s12  }
0x13: {  	s12 =	ssub.s32 s13, s15;
	s15 =	smul.u32 $0x60, s19;
	[dreg:$0x8] =	wrdreg s11  }
0x14: {  	s11 =	smul.u32 $0x60, s21;
	[dreg:$0xa] =	wrdreg s24;
	s2 =	sadd.s32 s2, s10  }
0x15: {  	s19 =	sshrl.u32 s16, $0x2;
	s21 =	sadd.s32 $0xD200, s25;
	s13 =	simm.s32 $0x183D0  }
0x16: {  	s16 =	simm.s32 $0x2;
	[dreg:$0xe] =	wrdreg s2;
	s2 =	sshrl.u32 s17, $0x2  }
0x17: {  	s20 =	sadd.s32 s19, s4;
	s0 =	sadd.s32 $0x15200, s0;
	s17 =	simm.s32 $0x3  }
0x18: {  	s19 =	simm.s32 $0x0;
	s15 =	sshrl.u32 s15, $0x2;
	[dreg:$0x10] =	wrdreg s20  }
0x19: {  	s11 =	sshrl.u32 s11, $0x2;
	s2 =	sadd.s32 s2, s4;
	[dreg:$0x17] =	wrdreg s0  }
0x1a: {  	s30 =	sadd.s32 $0x50, s9;
	s15 =	sadd.s32 s15, s4;
	[dreg:$0x11] =	wrdreg s2  }
0x1b: {  	s11 =	sadd.s32 s11, s4;
	s2 =	sshrl.u32 s21, $0x2;
	[dreg:$0x9] =	wrdreg s15  }
0x1c: {  	[dreg:$0xb] =	wrdreg s11;
	s11 =	sadd.s32 s3, s14;
	s2 =	sadd.s32 s2, s4  }
0x1d: {  	s14 =	sshrl.u32 s26, $0x2;
	s28 =	sadd.s32 $0x7800, s11;
	[dreg:$0x16] =	wrdreg s2  }
0x1e: {  	s0 =	simm.s32 $0x5;
	s29 =	sadd.s32 s14, s4;
	[dreg:$0xc] =	wrdreg s28  }
0x1f: {  	s15 =	simm.s32 $0x1;
	s24 =	sadd.s32 $0xA000, s11;
	[dreg:$0xd] =	wrdreg s29  }
0x20: {  	s14 =	sadd.s32 $0x7800, s25;
	s25 =	sadd.s32 $0xC800, s11;
	[dreg:$0x12] =	wrdreg s24  }
.Ltmp0:
0x21: {  	s26 =	sadd.s32 $0xF000, s11;
	[dreg:$0x13] =	wrdreg s25;
	(pc) =	sbr.rel .LBB2_1-.Ltmp0, $4  }
0x22: {  	s2 =	simm.s32 $0x1DBA0;
	[dreg:$0x14] =	wrdreg s26;
	s28 =	sadd.s32 $0x11800, s11  }
0x23: {  	s18 =	sshrl.u32 s14, $0x2;
	s29 =	smax.u32 s12, $0x1;
	[dreg:$0x15] =	wrdreg s28  }
0x24: {  	s12 =	simm.s32 $0x17C00;
	s10 =	sadd.s32 s18, s4;
	[dreg:$0x18] =	wrdreg s29  }
0x25: {  	v0 =	vimm.f32 $0.0e+00;
	v1 =	vimm.f32 $1.000000000e+00;
	s14 =	simm.s32 $0x50;
	s18 =	simm.s32 $0x4;
	[dreg:$0xf] =	wrdreg s10  }
.LBB2_15:
0x26: {  	s10 =	stileid.u32;
	[bflag:$0x0] =	sbarrier.arrive $0xFFFF  }
0x27: {  	s10 =	sshll.u32 s10, $0x6;
	s22 =	rddreg [dreg:$0x6]  }
0x28: {  	s20 =	rddreg [dreg:$0x17];
	s10 =	sor.u32 $0x1C05, s10;
	s11 =	sshrl.u32 s22, $0x3  }
0x29: {  	[hbm:s20], [sflag:s10] =	dma.local [spmem:s11], $0x2800  }
0x2a: {  	_ =	swait.ge [sflag:s0], $0x2800  }
0x2b: {  	[sflag:s0] =	ssyncset.done $0x0;
	s23 =	rddreg [dreg:$0x7]  }
0x2c: {  	s28 =	rddreg [dreg:$0xe];
	[sflag:s0] =	ssyncadd.s32 $0xFFFFD800;
	s26 =	sshrl.u32 s23, $0x3  }
0x2d: {  	[hbm:s28], [sflag:s10] =	dma.local [spmem:s26], $0x780  }
0x2e: {  	_ =	swait.ge [sflag:s0], $0x780  }
0x2f: {  	s19 =	sadd.s32 $0x1, s19;
	s29 =	rddreg [dreg:$0x18]  }
0x30: {  	p0 =	sne.s32 s19, s29  }
.Ltmp1:
0x31: {  	_ = 	snop;
	(pc) =	sbr.rel @!p0 .LBB2_16-.Ltmp1, $3  }
0x32: {  	_ =	sdelay $0x1  }
0x33: {  	[sflag:s0] =	ssyncset.done $0x0  }
0x34: {  	[sflag:s0] =	ssyncadd.s32 $0xFFFFF880  }
.LBB2_1:
0x35: {  	s20 =	simm.s32 $0x18BE0  }
0x36: {  	[tilespmem:s20+$0xFFFFFFD0] =	vst v0  }
0x37: {  	[tilespmem:s20+$0xFFFFFFE0] =	vst v0  }
0x38: {  	[tilespmem:s20+$0xFFFFFFF0] =	vst v0  }
0x39: {  	[tilespmem:s20+$0x0] =	vst v0  }
0x3a: {  	[tilespmem:s20+$0x10] =	vst v0  }
0x3b: {  	[tilespmem:s20+$0x20] =	vst v0  }
0x3c: {  	[tilespmem:s20+$0x30] =	vst v0  }
0x3d: {  	s10 =	simm.s32 $0x0;
	[tilespmem:s20+$0xFFFFFFC0] =	vst v0  }
0x3e: {  	s21 =	simm.s32 $0x60;
	[tilespmem:s10+$0x1DBA0] =	vst v0  }
.LBB2_2:
0x3f: {  	p0 =	sne.s32 s21, $0x1DA0;
	[tilespmem:s10+$0x1DBA8] =	vst v0;
	s20 =	sadd.s32 $0x80, s20  }
0x40: {  	[tilespmem:s20+$0xFFFFFFD0] =	vst v0  }
0x41: {  	[tilespmem:s20+$0xFFFFFFE0] =	vst v0  }
0x42: {  	[tilespmem:s20+$0xFFFFFFF0] =	vst v0  }
0x43: {  	[tilespmem:s20+$0x0] =	vst v0  }
.Ltmp2:
0x44: {  	[tilespmem:s20+$0x10] =	vst v0;
	(pc) =	sbr.rel @p0 .LBB2_2-.Ltmp2, $4  }
0x45: {  	[tilespmem:s20+$0x20] =	vst v0  }
0x46: {  	[tilespmem:s20+$0x30] =	vst v0  }
0x47: {  	s10 =	sshra.s32 s21, $0x2;
	[tilespmem:s20+$0xFFFFFFC0] =	vst v0  }
0x48: {  	s21 =	sadd.s32 $0x60, s21;
	[tilespmem:s10+$0x1DBA0] =	vst v0  }
0x49: {  	[tilespmem:s10+$0x1DBA8] =	vst v0  }
0x4a: {  	[spmem:s22] =	stream.linear.scatter [tilespmem:s31], [sflag:$0x5], $0x2800, $0x38;
	[tilespmem:$0x1EAA0] =	vst v63  }
0x4b: {  	_ =	swait.ge [sflag:s0], $0x2800  }
0x4c: {  	[sflag:s0] =	ssyncset.done $0x0  }
0x4d: {  	[sflag:s0] =	ssyncadd.s32 $0xFFFFD800  }
0x4e: {  	[spmem:s23] =	stream.linear.scatter [tilespmem:s2], [sflag:$0x5], $0x780, $0x38;
	[tilespmem:$0x1EAA0] =	vst v63  }
0x4f: {  	_ =	swait.ge [sflag:s0], $0x780  }
0x50: {  	[sflag:s0] =	ssyncset.done $0x0  }
0x51: {  	s25 =	rddreg [dreg:$0x8];
	[sflag:s0] =	ssyncadd.s32 $0xFFFFF880  }
0x52: {  	[spmem:s25] =	stream.linear.scatter [tilespmem:s31], [sflag:$0x5], $0x2800, $0x38;
	[tilespmem:$0x1EAA0] =	vst v63  }
0x53: {  	_ =	swait.ge [sflag:s0], $0x2800  }
0x54: {  	[sflag:s0] =	ssyncset.done $0x0  }
0x55: {  	s26 =	rddreg [dreg:$0x9];
	[sflag:s0] =	ssyncadd.s32 $0xFFFFD800  }
0x56: {  	[spmem:s26] =	stream.linear.scatter [tilespmem:s2], [sflag:$0x5], $0x780, $0x38;
	[tilespmem:$0x1EAA0] =	vst v63  }
0x57: {  	_ =	swait.ge [sflag:s0], $0x780  }
0x58: {  	[sflag:s0] =	ssyncset.done $0x0  }
0x59: {  	s28 =	rddreg [dreg:$0xa];
	[sflag:s0] =	ssyncadd.s32 $0xFFFFF880  }
0x5a: {  	[spmem:s28] =	stream.linear.scatter [tilespmem:s31], [sflag:$0x5], $0x2800, $0x38;
	[tilespmem:$0x1EAA0] =	vst v63  }
0x5b: {  	_ =	swait.ge [sflag:s0], $0x2800  }
0x5c: {  	[sflag:s0] =	ssyncset.done $0x0  }
0x5d: {  	s29 =	rddreg [dreg:$0xb];
	[sflag:s0] =	ssyncadd.s32 $0xFFFFD800  }
0x5e: {  	[spmem:s29] =	stream.linear.scatter [tilespmem:s2], [sflag:$0x5], $0x780, $0x38;
	[tilespmem:$0x1EAA0] =	vst v63  }
0x5f: {  	_ =	swait.ge [sflag:s0], $0x780  }
0x60: {  	[sflag:s0] =	ssyncset.done $0x0  }
0x61: {  	s11 =	rddreg [dreg:$0xc];
	[sflag:s0] =	ssyncadd.s32 $0xFFFFF880  }
0x62: {  	[spmem:s11] =	stream.linear.scatter [tilespmem:s31], [sflag:$0x5], $0x2800, $0x38;
	[tilespmem:$0x1EAA0] =	vst v63  }
0x63: {  	_ =	swait.ge [sflag:s0], $0x2800  }
0x64: {  	[sflag:s0] =	ssyncset.done $0x0  }
0x65: {  	s20 =	rddreg [dreg:$0xd];
	[sflag:s0] =	ssyncadd.s32 $0xFFFFD800  }
0x66: {  	[spmem:s20] =	stream.linear.scatter [tilespmem:s2], [sflag:$0x5], $0x780, $0x38;
	[tilespmem:$0x1EAA0] =	vst v63  }
0x67: {  	_ =	swait.ge [sflag:s0], $0x780  }
0x68: {  	[sflag:s0] =	ssyncset.done $0x0  }
0x69: {  	s21 =	rddreg [dreg:$0x12];
	[sflag:s0] =	ssyncadd.s32 $0xFFFFF880  }
0x6a: {  	[spmem:s21] =	stream.linear.scatter [tilespmem:s31], [sflag:$0x5], $0x2800, $0x38;
	[tilespmem:$0x1EAA0] =	vst v63  }
0x6b: {  	_ =	swait.ge [sflag:s0], $0x2800  }
0x6c: {  	[sflag:s0] =	ssyncset.done $0x0  }
0x6d: {  	s22 =	rddreg [dreg:$0xf];
	[sflag:s0] =	ssyncadd.s32 $0xFFFFD800  }
0x6e: {  	[spmem:s22] =	stream.linear.scatter [tilespmem:s2], [sflag:$0x5], $0x780, $0x38;
	[tilespmem:$0x1EAA0] =	vst v63  }
0x6f: {  	_ =	swait.ge [sflag:s0], $0x780  }
0x70: {  	[sflag:s0] =	ssyncset.done $0x0  }
0x71: {  	s23 =	rddreg [dreg:$0x13];
	[sflag:s0] =	ssyncadd.s32 $0xFFFFF880  }
0x72: {  	[spmem:s23] =	stream.linear.scatter [tilespmem:s31], [sflag:$0x5], $0x2800, $0x38;
	[tilespmem:$0x1EAA0] =	vst v63  }
0x73: {  	_ =	swait.ge [sflag:s0], $0x2800  }
0x74: {  	[sflag:s0] =	ssyncset.done $0x0  }
0x75: {  	s24 =	rddreg [dreg:$0x10];
	[sflag:s0] =	ssyncadd.s32 $0xFFFFD800  }
0x76: {  	[spmem:s24] =	stream.linear.scatter [tilespmem:s2], [sflag:$0x5], $0x780, $0x38;
	[tilespmem:$0x1EAA0] =	vst v63  }
0x77: {  	_ =	swait.ge [sflag:s0], $0x780  }
0x78: {  	[sflag:s0] =	ssyncset.done $0x0  }
0x79: {  	s25 =	rddreg [dreg:$0x14];
	[sflag:s0] =	ssyncadd.s32 $0xFFFFF880  }
0x7a: {  	[spmem:s25] =	stream.linear.scatter [tilespmem:s31], [sflag:$0x5], $0x2800, $0x38;
	[tilespmem:$0x1EAA0] =	vst v63  }
0x7b: {  	_ =	swait.ge [sflag:s0], $0x2800  }
0x7c: {  	[sflag:s0] =	ssyncset.done $0x0  }
0x7d: {  	s26 =	rddreg [dreg:$0x11];
	[sflag:s0] =	ssyncadd.s32 $0xFFFFD800  }
0x7e: {  	[spmem:s26] =	stream.linear.scatter [tilespmem:s2], [sflag:$0x5], $0x780, $0x38;
	[tilespmem:$0x1EAA0] =	vst v63  }
0x7f: {  	_ =	swait.ge [sflag:s0], $0x780  }
0x80: {  	[sflag:s0] =	ssyncset.done $0x0  }
0x81: {  	s28 =	rddreg [dreg:$0x15];
	[sflag:s0] =	ssyncadd.s32 $0xFFFFF880  }
0x82: {  	[spmem:s28] =	stream.linear.scatter [tilespmem:s31], [sflag:$0x5], $0x2800, $0x38;
	[tilespmem:$0x1EAA0] =	vst v63  }
0x83: {  	_ =	swait.ge [sflag:s0], $0x2800  }
0x84: {  	[sflag:s0] =	ssyncset.done $0x0  }
0x85: {  	s29 =	rddreg [dreg:$0x16];
	[sflag:s0] =	ssyncadd.s32 $0xFFFFD800  }
0x86: {  	[spmem:s29] =	stream.linear.scatter [tilespmem:s2], [sflag:$0x5], $0x780, $0x38;
	[tilespmem:$0x1EAA0] =	vst v63  }
0x87: {  	_ =	swait.ge [sflag:s0], $0x780  }
0x88: {  	[sflag:s0] =	ssyncset.done $0x0  }
0x89: {  	s10 =	simm.s32 $0x0;
	s20 =	simm.s32 $0x60;
	[sflag:s0] =	ssyncadd.s32 $0xFFFFF880  }
.LBB2_4:
0x8a: {  	p0 =	sne.s32 s20, $0x1DA0;
	[tilespmem:s10+$0x1DBA8] =	vst v1;
	s11 =	smov.u32 s20;
	s20 =	sadd.s32 $0x60, s20  }
.Ltmp3:
0x8b: {  	[tilespmem:s10+$0x1E328] =	vst v1;
	(pc) =	sbr.rel @p0 .LBB2_4-.Ltmp3, $2  }
0x8c: {  	_ =	sdelay $0x2  }
0x8d: {  	s10 =	sshra.s32 s11, $0x2  }
.Ltmp4:
0x8e: {  	(pc) =	sbr.rel .LBB2_6-.Ltmp4, $4  }
0x8f: {  	[tilespmem:s10+$0x1DBA8] =	vst v1  }
0x90: {  	[tilespmem:s10+$0x1E328] =	vst v1  }
0x91: {  	[bflag:$0x0] =	sbarrier.arrive $0xFFFF  }
0x92: {  	s20 =	simm.s32 $0x0;
	s21 =	simm.s32 $0x0  }
.LBB2_14:
0x93: {  	s21 =	sadd.s32 $0x1, s21  }
0x94: {  	_ =	swait.ge [sflag:s17], $0x2800;
	p0 =	sne.s32 s21, $0x5  }
.Ltmp5:
0x95: {  	[sflag:s17] =	ssyncset.done $0x0;
	(pc) =	sbr.rel @!p0 .LBB2_15-.Ltmp5, $4  }
0x96: {  	[sflag:s17] =	ssyncadd.s32 $0xFFFFD800  }
0x97: {  	_ =	swait.ge [sflag:s18], $0x780  }
0x98: {  	[sflag:s18] =	ssyncset.done $0x0  }
0x99: {  	[sflag:s18] =	ssyncadd.s32 $0xFFFFF880  }
.LBB2_6:
0x9a: {  	s10 =	smul.u32 $0x7D0, s21;
	_ =	sdelay $0x1  }
0x9b: {  	s10 =	sadd.s32 s9, s10  }
0x9c: {  	s11 =	sshrl.u32 s10, $0x3  }
0x9d: {  	s22 =	sadd.s32 s7, s11  }
0x9e: {  	[tilespmem:s12], [sflag:$0x5] =	stream.linear.gather [hbm4b:s22+s20], $0x7D0, $0x38;
	[tilespmem:$0x1EAA0] =	vst v63  }
0x9f: {  	_ =	swait.ge [sflag:s0], $0x7D0  }
0xa0: {  	[sflag:s0] =	ssyncset.done $0x0  }
0xa1: {  	s11 =	sadd.s32 s8, s11;
	[sflag:s0] =	ssyncadd.s32 $0xFFFFF830  }
0xa2: {  	[tilespmem:s13], [sflag:$0x5] =	stream.linear.gather [hbm4b:s11+s20], $0x7D0, $0x38;
	[tilespmem:$0x1EAA0] =	vst v63  }
0xa3: {  	s23 =	simm.s32 $0x1DBA0;
	s10 =	sshll.u32 s10, $0x1;
	_ =	swait.ge [sflag:s0], $0x7D0  }
0xa4: {  	s24 =	simm.s32 $0x2;
	s22 =	sadd.s32 s6, s10;
	[sflag:s0] =	ssyncset.done $0x0  }
0xa5: {  	s25 =	simm.s32 $0x1DBB8;
	s10 =	sadd.s32 $0x0, s22;
	[sflag:s0] =	ssyncadd.s32 $0xFFFFF830  }
0xa6: {  	[tilespmem:s31], [sflag:$0x1] =	stream.indirect.gather [hbm4b:s1+s14], $0x80, s12, s14, $0xb8;
	[tilespmem:$0x1EAA0] =	vst v63  }
.LBB2_7:
0xa7: {  	[tilespmem:s23], [sflag:$0x2] =	stream.linear.gather [hbm4b:s10+s5], $0x10, $0x38;
	[tilespmem:$0x1EAA0] =	vst v63  }
0xa8: {  	s10 =	smov.u32 s24;
	s23 =	smov.u32 s25;
	p0 =	sne.s32 s24, $0x9E  }
.Ltmp6:
0xa9: {  	s24 =	sadd.s32 $0x2, s24;
	(pc) =	sbr.rel @p0 .LBB2_7-.Ltmp6, $2  }
0xaa: {  	_ =	sdelay $0x2  }
0xab: {  	s25 =	sadd.s32 $0x18, s25;
	s10 =	sadd.s32 s10, s22  }
.Ltmp7:
0xac: {  	(pc) =	sbr.rel .LBB2_9-.Ltmp7, $3  }
0xad: {  	_ =	sdelay $0x1  }
0xae: {  	[tilespmem:s23], [sflag:$0x2] =	stream.linear.gather [hbm4b:s10+s5], $0x10, $0x38;
	[tilespmem:$0x1EAA0] =	vst v63  }
0xaf: {  	s22 =	smul.u32 $0x19, s21;
	s23 =	simm.s32 $0x0  }
.LBB2_12:
0xb0: {  	[tilespmem:s26], [sflag:$0x2] =	stream.linear.gather [hbm4b:s11+s5], $0x10, $0x38;
	[tilespmem:$0x1EAA0] =	vst v63  }
.LBB2_13:
0xb1: {  	s10 =	smul.u32 $0xA000, s25  }
0xb2: {  	s11 =	smul.u32 $0x140, s23  }
0xb3: {  	s28 =	smul.u32 $0x1E00, s25;
	p0 =	slt.u32 s24, $0x19  }
.Ltmp8:
0xb4: {  	s10 =	sshrl.u32 s10, $0x2;
	s11 =	sshra.s32 s11, $0x2;
	(pc) =	sbr.rel @!p0 .LBB2_14-.Ltmp8, $4  }
0xb5: {  	s29 =	sshrl.u32 s28, $0x2;
	s10 =	sadd.s32 $0x18BA0, s10;
	s11 =	sadd.s32 $0x183D0, s11  }
0xb6: {  	[spmem:s3] =	stream.indirect.scatter.add.f32 [tilespmem:s10], [sflag:$0x3], $0x80, s11, s14, $0xb8;
	[tilespmem:$0x1EAA0] =	vst v63  }
0xb7: {  	s23 =	smov.u32 s24;
	s10 =	sadd.s32 $0x1DBA0, s29  }
0xb8: {  	[spmem:s4] =	stream.indirect.scatter.add.f32 [tilespmem:s10], [sflag:$0x4], $0x18, s11, s14, $0xb8;
	[tilespmem:$0x1EAA0] =	vst v63  }
.LBB2_9:
0xb9: {  	_ =	swait.ge [sflag:s15], $0x2800  }
0xba: {  	[sflag:s15] =	ssyncset.done $0x0  }
0xbb: {  	[sflag:s15] =	ssyncadd.s32 $0xFFFFD800  }
0xbc: {  	_ =	swait.ge [sflag:s16], $0x500  }
0xbd: {  	p0 =	seq.s32 s23, $0x0;
	[sflag:s16] =	ssyncset.done $0x0  }
0xbe: {  	s10 =	simm.s32 @!p0 $0x3;
	p1 =	seq.s32 @!p0 s23, $0x18;
	[sflag:s16] =	ssyncadd.s32 $0xFFFFFB00  }
0xbf: {  	p1 =	por p0, !p1;
	_ =	swait.ge @!p0 [sflag:s10], $0x2800  }
.Ltmp9:
0xc0: {  	[sflag:s10] =	ssyncset.done @!p0 $0x0;
	(pc) =	sbr.rel @!p1 .LBB2_13-.Ltmp9, $4  }
0xc1: {  	[sflag:s10] =	ssyncadd.s32 @!p0 $0xFFFFD800;
	s10 =	simm.s32 @!p0 $0x4  }
0xc2: {  	_ =	swait.ge @!p0 [sflag:s10], $0x780  }
0xc3: {  	[sflag:s10] =	ssyncset.done @!p0 $0x0  }
0xc4: {  	s25 =	sand.u32 $0x1, s23;
	s24 =	simm.s32 @!p0 $0x19;
	[sflag:s10] =	ssyncadd.s32 @!p0 $0xFFFFF880  }
0xc5: {  	s24 =	sadd.s32 @!p0 $0x1, s23;
	s10 =	sxor.u32 $0x1, s25  }
0xc6: {  	s24 =	simm.s32 @p0 $0x1;
	s11 =	smul.u32 $0xA000, s10  }
0xc7: {  	s26 =	smul.u32 $0x140, s24;
	_ =	sdelay $0x1  }
0xc8: {  	s28 =	sadd.s32 s22, s23;
	s11 =	sshrl.u32 s11, $0x2;
	s26 =	sshra.s32 s26, $0x2  }
0xc9: {  	s28 =	smul.u32 $0x50, s28;
	s11 =	sadd.s32 $0x18BA0, s11;
	s26 =	sadd.s32 $0x17C00, s26  }
0xca: {  	[tilespmem:s11], [sflag:$0x1] =	stream.indirect.gather [hbm4b:s1+s14], $0x80, s26, s14, $0xb8;
	[tilespmem:$0x1EAA0] =	vst v63  }
0xcb: {  	s10 =	smul.u32 $0x1E00, s10;
	s26 =	sadd.s32 s28, s30  }
0xcc: {  	s11 =	sshll.u32 s26, $0x1  }
0xcd: {  	s10 =	sshrl.u32 s10, $0x2;
	s11 =	sand.u32 $0x1FFFFFE0, s11  }
0xce: {  	s26 =	sadd.s32 $0x1DBA0, s10;
	s28 =	sadd.s32 s6, s11  }
0xcf: {  	s29 =	simm.s32 $0x2;
	s10 =	sadd.s32 $0x18, s26;
	s11 =	sadd.s32 $0x0, s28  }
.LBB2_11:
0xd0: {  	[tilespmem:s26], [sflag:$0x2] =	stream.linear.gather [hbm4b:s11+s5], $0x10, $0x38;
	[tilespmem:$0x1EAA0] =	vst v63  }
0xd1: {  	s11 =	smov.u32 s29;
	s26 =	smov.u32 s10;
	p0 =	sne.s32 s29, $0x9E  }
.Ltmp10:
0xd2: {  	s29 =	sadd.s32 $0x2, s29;
	(pc) =	sbr.rel @p0 .LBB2_11-.Ltmp10, $2  }
0xd3: {  	_ =	sdelay $0x2  }
0xd4: {  	s10 =	sadd.s32 $0x18, s10;
	s11 =	sadd.s32 s11, s28  }
.Ltmp11:
0xd5: {  	_ = 	snop;
	(pc) =	sbr.rel .LBB2_12-.Ltmp11, $1  }
0xd6: {  	_ =	sdelay $0x3  }
.LBB2_16:
0xd7: {  	_ =	sfence.sel $0x180000  }
0xd8: {  	[bflag:$0x0] =	sbarrier.arrive $0xFFFF  }
0xd9: {  	_ =	strace $0x90000047  }
0xda: {  	s0 =	stileid.u32;
	[bflag:$0x2] =	sbarrier.arrive $0xFFFF  }
0xdb: {  	p0 =	sne.s32 s0, $0x0;
	s0 =	rddreg [dreg:$0x5]  }
0xdc: {  	s0 =	sadd.s32 @!p0 $0x100000, s0  }
0xdd: {  	[sflag:s0] =	ssyncadd.tile.s32 @!p0 $0x1;
	_ =	shalt  }
.Lfunc_end2:
_tile_overlayer_lowered:
.L_overlay_start_2:
0xde: {  	(tag) =	ssettag $0x2  }
0xdf: {  	s0 =	rddreg [dreg:$0x0];
	s2 =	stileid.u32  }
0xe0: {  	s1 =	rddreg [dreg:$0x1];
	p0 =	sne.s32 s2, $0x0  }
0xe1: {  	s3 =	rddreg [dreg:$0x2];
	[bflag:$0x3] =	sbarrier.arrive $0xFFFF;
	s2 =	simm.s32 @!p0 $0x1C05  }
0xe2: {  	[timem:s3], [sflag:s2] =	dma.local @!p0 [hbm:s0], s1  }
0xe3: {  	s0 =	simm.s32 @!p0 $0x5  }
0xe4: {  	_ =	swait.ge @!p0 [sflag:s0], s1  }
0xe5: {  	s1 =	ssub.s32 @!p0 $0x0, s1;
	[sflag:s0] =	ssyncset.done @!p0 $0x0  }
0xe6: {  	[sflag:s0] =	ssyncadd.s32 @!p0 s1  }
0xe7: {  	[bflag:$0x3] =	sbarrier.arrive $0xFFFF  }
0xe8: {  	_ =	shalt  }

</sc_bundles>
